<compile_context>
chip_gen: v7x
topology: tpu7x:2x2x1
jax: 0.10.2.dev20260603
libtpu: 0.0.44.dev20260713+nightly
codegen_flags: <defaults>
</compile_context>

<pallas_src>
import functools

import jax
import jax.numpy as jnp
from jax import lax
from jax.experimental import pallas as pl
from jax.experimental.pallas import tpu as pltpu
from jax.experimental.pallas import tpu_sc as plsc

N = 10000
D = 128
H = 128
NC = 2
NS = 16
NW = NC * NS
CHUNK = 128
SEG = 16
NSEG = 160
E_PAD = NSEG * SEG * CHUNK
SEG_A = 9
SEG_B = 1
ACC_ROWS = 10112
ZROWS = ACC_ROWS // NS
NB = 2
LOOK = 1

RB = 1000
GRID = N // RB


def _agg_body(h_hbm, src_hbm, dst_hbm, out_hbm, src_v, dst_v,
              rows0, rows1, acc_s, sg0, sg1, ss0, ss1):
    rows = (rows0, rows1)
    semg = (sg0, sg1)
    sems = (ss0, ss1)
    c = lax.axis_index("c")
    s = lax.axis_index("s")

    def zrow(i, carry):
        for q in range(D // 16):
            rows0[i, pl.ds(q * 16, 16)] = jnp.zeros((16,), jnp.float32)
        return carry

    lax.fori_loop(0, CHUNK, zrow, 0)

    zbase = s * ZROWS

    def zcopy(r, carry):
        pltpu.sync_copy(rows0, acc_s.at[pl.ds(zbase + r * CHUNK, CHUNK)])
        return carry

    lax.fori_loop(0, ZROWS // CHUNK, zcopy, 0)
    pltpu.sync_copy(rows0.at[pl.ds(0, ZROWS % CHUNK)],
                    acc_s.at[pl.ds(zbase + (ZROWS // CHUNK) * CHUNK,
                                   ZROWS % CHUNK)])

    plsc.subcore_barrier()

    def run_segment(seg, carry):
        def start_g(jj, b):
            pltpu.async_copy(h_hbm.at[src_v.at[jj]], rows[b], semg[b % 2])

        def wait_g(jj, b):
            pltpu.make_async_copy(h_hbm.at[src_v.at[jj]], rows[b],
                                  semg[b % 2]).wait()

        def start_s(jj, b):
            pltpu.async_copy(rows[b], acc_s.at[dst_v.at[jj]],
                             sems[b % 2], add=True)

        def wait_s(jj, b):
            pltpu.make_async_copy(rows[b], acc_s.at[dst_v.at[jj]],
                                  sems[b % 2]).wait()

        pltpu.sync_copy(src_hbm.at[seg], src_v)
        pltpu.sync_copy(dst_hbm.at[seg], dst_v)
        for b in range(LOOK):
            start_g(b, b)

        def group(g, carry2):
            for b in range(NB):
                jj = g * NB + b
                wait_g(jj, b)

                @pl.when(jj >= LOOK)
                def _():
                    wait_s(jj - LOOK, (b + NB - LOOK) % NB)

                start_s(jj, b)

                @pl.when(jj < SEG - LOOK)
                def _():
                    start_g(jj + LOOK, (b + LOOK) % NB)
            return carry2

        lax.fori_loop(0, SEG // NB, group, 0)
        for jj in range(SEG - LOOK, SEG):
            wait_s(jj, jj % NB)
        return carry

    nseg = jnp.where(c == 0, SEG_A, SEG_B)
    seg0 = jnp.where(c == 0, s * SEG_A, NS * SEG_A + s * SEG_B)
    lax.fori_loop(0, nseg, lambda k, cr: run_segment(seg0 + k, cr), 0)

    plsc.subcore_barrier()

    pltpu.sync_copy(acc_s.at[pl.ds(s * ZROWS, ZROWS)],
                    out_hbm.at[c, pl.ds(s * ZROWS, ZROWS)])


def _make_agg():
    mesh = plsc.VectorSubcoreMesh(core_axis_name="c", subcore_axis_name="s",
                                  num_cores=NC, num_subcores=NS)
    return functools.partial(
        pl.kernel,
        out_type=jax.ShapeDtypeStruct((NC, ACC_ROWS, D), jnp.float32),
        mesh=mesh,
        scratch_types=[
            pltpu.VMEM((SEG, CHUNK), jnp.int32),
            pltpu.VMEM((SEG, CHUNK), jnp.int32),
            pltpu.VMEM((CHUNK, D), jnp.float32),
            pltpu.VMEM((CHUNK, D), jnp.float32),
            pltpu.VMEM_SHARED((ACC_ROWS, D), jnp.float32),
            pltpu.SemaphoreType.DMA,
            pltpu.SemaphoreType.DMA,
            pltpu.SemaphoreType.DMA,
            pltpu.SemaphoreType.DMA,
        ],
    )(_agg_body)


def _mlp_body(h_ref, a0_ref, a1_ref, w1_ref, b1_ref, w2_ref, b2_ref, o_ref):
    z = h_ref[...] + a0_ref[0] + a1_ref[0]
    z = lax.dot_general(z, w1_ref[...], (((1,), (0,)), ((), ())),
                        preferred_element_type=jnp.float32)
    z = jnp.maximum(z + b1_ref[...], 0.0)
    z = lax.dot_general(z, w2_ref[...], (((1,), (0,)), ((), ())),
                        preferred_element_type=jnp.float32)
    o_ref[...] = jnp.maximum(z + b2_ref[...], 0.0)


def _mlp(h, agg, w1, b1, w2, b2):
    row_spec = pl.BlockSpec((RB, D), lambda i: (i, 0))
    a0_spec = pl.BlockSpec((1, RB, D), lambda i: (0, i, 0))
    a1_spec = pl.BlockSpec((1, RB, D), lambda i: (1, i, 0))
    full = pl.BlockSpec((D, H), lambda i: (0, 0))
    bias = pl.BlockSpec((1, H), lambda i: (0, 0))
    return pl.pallas_call(
        _mlp_body,
        grid=(GRID,),
        in_specs=[row_spec, a0_spec, a1_spec, full, bias, full, bias],
        out_specs=pl.BlockSpec((RB, H), lambda i: (i, 0)),
        out_shape=jax.ShapeDtypeStruct((N, H), jnp.float32),
    )(h, agg, agg, w1, b1.reshape(1, H), w2, b2.reshape(1, H))


def kernel(x, edge_index, W1a, b1a, W2a, b2a, W1b, b1b, W2b, b2b):
    src = edge_index[0]
    dst = edge_index[1]
    pad = E_PAD - src.shape[0]
    src_p = jnp.concatenate(
        [src, jnp.zeros((pad,), jnp.int32)]).reshape(NSEG, SEG, CHUNK)
    dst_p = jnp.concatenate(
        [dst, jnp.full((pad,), N, jnp.int32)]).reshape(NSEG, SEG, CHUNK)

    agg_fn = _make_agg()
    agg = agg_fn(x, src_p, dst_p)
    h1 = _mlp(x, agg, W1a, b1a, W2a, b2a)
    agg2 = agg_fn(h1, src_p, dst_p)
    h2 = _mlp(h1, agg2, W1b, b1b, W2b, b2b)
    return h2

# --- scband reference (transcript-rebuilt; emitter-appended) ---
"""Pipeline reference for scband-gin-22170621182212 (READ-ONLY COPY).

The authoritative reference and input builder live on the scoring server;
editing this copy changes nothing except your own understanding.
"""

import jax, jax.numpy as jnp
import numpy as np

N = 10000
E = 320000
D = 128
H = 128


def setup_inputs(seed: int = 0) -> dict:
    key = jax.random.key(seed)
    ks = jax.random.split(key, 12)
    x = jax.random.normal(ks[0], (N, D), dtype=jnp.float32)
    edge_index = jax.random.randint(ks[1], (2, E), 0, N, dtype=jnp.int32)
    s1 = 1.0 / np.sqrt(D)
    s2 = 1.0 / np.sqrt(H)
    W1a = jax.random.uniform(ks[2], (D, H), jnp.float32, -s1, s1)
    b1a = jax.random.uniform(ks[3], (H,), jnp.float32, -s1, s1)
    W2a = jax.random.uniform(ks[4], (H, H), jnp.float32, -s2, s2)
    b2a = jax.random.uniform(ks[5], (H,), jnp.float32, -s2, s2)
    W1b = jax.random.uniform(ks[6], (H, H), jnp.float32, -s2, s2)
    b1b = jax.random.uniform(ks[7], (H,), jnp.float32, -s2, s2)
    W2b = jax.random.uniform(ks[8], (H, H), jnp.float32, -s2, s2)
    b2b = jax.random.uniform(ks[9], (H,), jnp.float32, -s2, s2)
    return {"x": x, "edge_index": edge_index,
            "W1a": W1a, "b1a": b1a, "W2a": W2a, "b2a": b2a,
            "W1b": W1b, "b1b": b1b, "W2b": W2b, "b2b": b2b}


def reference(x, edge_index, W1a, b1a, W2a, b2a, W1b, b1b, W2b, b2b):
    src = edge_index[0]
    dst = edge_index[1]

    def gin_conv(h, W1, b1, W2, b2):
        # message passing: sum aggregation of neighbor features (scatter-add)
        msgs = jnp.take(h, src, axis=0)
        agg = jax.ops.segment_sum(msgs, dst, num_segments=N)
        # GINConv with eps=0: MLP((1+eps)*x + sum_neighbors)
        z = h + agg
        z = jnp.dot(z, W1) + b1
        z = jax.nn.relu(z)
        z = jnp.dot(z, W2) + b2
        return z

    h = jax.nn.relu(gin_conv(x, W1a, b1a, W2a, b2a))
    h = jax.nn.relu(gin_conv(h, W1b, b1b, W2b, b2b))
    return h

if __name__ == "__main__":
    import jax
    _d = setup_inputs()
    print(jax.jit(kernel)(*tuple(_d.values())))

</pallas_src>

<mosaic_0001>
#map = affine_map<(d0, d1) -> (0, 0)>
#map1 = affine_map<(d0, d1) -> (0, 0, 0)>
module attributes {stable_mosaic.version = 14 : i64} {
  func.func @_agg_body(%arg0: i32, %arg1: i32, %arg2: memref<10000x128xf32, #tpu.memory_space<hbm>>, %arg3: memref<160x16x128xi32, #tpu.memory_space<hbm>>, %arg4: memref<160x16x128xi32, #tpu.memory_space<hbm>>, %arg5: memref<2x10112x128xf32, #tpu.memory_space<hbm>>, %arg6: memref<16x128xi32, #tpu.memory_space<vmem>>, %arg7: memref<16x128xi32, #tpu.memory_space<vmem>>, %arg8: memref<128x128xf32, #tpu.memory_space<vmem>>, %arg9: memref<128x128xf32, #tpu.memory_space<vmem>>, %arg10: memref<10112x128xf32, #tpu.memory_space<vmem_shared>>, %arg11: memref<!tpu.dma_semaphore, #tpu.memory_space<semaphore_mem>>, %arg12: memref<!tpu.dma_semaphore, #tpu.memory_space<semaphore_mem>>, %arg13: memref<!tpu.dma_semaphore, #tpu.memory_space<semaphore_mem>>, %arg14: memref<!tpu.dma_semaphore, #tpu.memory_space<semaphore_mem>>) attributes {dimension_semantics = [#tpu.dimension_semantics<core_parallel>, #tpu.dimension_semantics<subcore_parallel>], iteration_bounds = array<i64: 2, 16>, scalar_prefetch = 0 : i64, scratch_operands = 9 : i64, tpu.core_type = #tpu.core_type<sc_vector_subcore>, window_params = [{transform_indices = #map}, {transform_indices = #map1}, {transform_indices = #map1}, {transform_indices = #map1}]} {
    %scan3A = arith.constant 0 : i32
    %scan3A_0 = arith.constant 0 : i32
    %scan3A_1 = arith.constant 128 : i32
    %scan3A_2 = arith.addi %scan3A_0, %scan3A_1 : i32
    %scan3A_3 = arith.constant 1 : i32
    scf.for %scan3A_38 = %scan3A_0 to %scan3A_2 step %scan3A_3  : i32 {
      %broadcast_in_dim3A = arith.constant 0.000000e+00 : f32
      %broadcast_in_dim3A_39 = vector.broadcast %broadcast_in_dim3A : f32 to vector<16xf32>
      %swap3A = arith.index_cast %scan3A_38 : i32 to index
      %swap3A_40 = arith.constant 0 : index
      %swap3A_41 = tpu.vector_load %arg8[%swap3A, %swap3A_40] {strides = array<i32>} : memref<128x128xf32, #tpu.memory_space<vmem>>, vector<1x16xf32>,
      %swap3A_42 = vector.shape_cast %swap3A_41 : vector<1x16xf32> to vector<16xf32>
      %swap3A_43 = vector.shape_cast %broadcast_in_dim3A_39 : vector<16xf32> to vector<1x16xf32>
      tpu.vector_store %arg8[%swap3A, %swap3A_40], %swap3A_43 {strides = array<i32>} : memref<128x128xf32, #tpu.memory_space<vmem>>, vector<1x16xf32>,
      %broadcast_in_dim3A_44 = arith.constant 0.000000e+00 : f32
      %broadcast_in_dim3A_45 = vector.broadcast %broadcast_in_dim3A_44 : f32 to vector<16xf32>
      %swap3A_46 = arith.index_cast %scan3A_38 : i32 to index
      %swap3A_47 = arith.constant 16 : index
      %swap3A_48 = tpu.vector_load %arg8[%swap3A_46, %swap3A_47] {strides = array<i32>} : memref<128x128xf32, #tpu.memory_space<vmem>>, vector<1x16xf32>,
      %swap3A_49 = vector.shape_cast %swap3A_48 : vector<1x16xf32> to vector<16xf32>
      %swap3A_50 = vector.shape_cast %broadcast_in_dim3A_45 : vector<16xf32> to vector<1x16xf32>
      tpu.vector_store %arg8[%swap3A_46, %swap3A_47], %swap3A_50 {strides = array<i32>} : memref<128x128xf32, #tpu.memory_space<vmem>>, vector<1x16xf32>,
      %broadcast_in_dim3A_51 = arith.constant 0.000000e+00 : f32
      %broadcast_in_dim3A_52 = vector.broadcast %broadcast_in_dim3A_51 : f32 to vector<16xf32>
      %swap3A_53 = arith.index_cast %scan3A_38 : i32 to index
      %swap3A_54 = arith.constant 32 : index
      %swap3A_55 = tpu.vector_load %arg8[%swap3A_53, %swap3A_54] {strides = array<i32>} : memref<128x128xf32, #tpu.memory_space<vmem>>, vector<1x16xf32>,
      %swap3A_56 = vector.shape_cast %swap3A_55 : vector<1x16xf32> to vector<16xf32>
      %swap3A_57 = vector.shape_cast %broadcast_in_dim3A_52 : vector<16xf32> to vector<1x16xf32>
      tpu.vector_store %arg8[%swap3A_53, %swap3A_54], %swap3A_57 {strides = array<i32>} : memref<128x128xf32, #tpu.memory_space<vmem>>, vector<1x16xf32>,
      %broadcast_in_dim3A_58 = arith.constant 0.000000e+00 : f32
      %broadcast_in_dim3A_59 = vector.broadcast %broadcast_in_dim3A_58 : f32 to vector<16xf32>
      %swap3A_60 = arith.index_cast %scan3A_38 : i32 to index
      %swap3A_61 = arith.constant 48 : index
      %swap3A_62 = tpu.vector_load %arg8[%swap3A_60, %swap3A_61] {strides = array<i32>} : memref<128x128xf32, #tpu.memory_space<vmem>>, vector<1x16xf32>,
      %swap3A_63 = vector.shape_cast %swap3A_62 : vector<1x16xf32> to vector<16xf32>
      %swap3A_64 = vector.shape_cast %broadcast_in_dim3A_59 : vector<16xf32> to vector<1x16xf32>
      tpu.vector_store %arg8[%swap3A_60, %swap3A_61], %swap3A_64 {strides = array<i32>} : memref<128x128xf32, #tpu.memory_space<vmem>>, vector<1x16xf32>,
      %broadcast_in_dim3A_65 = arith.constant 0.000000e+00 : f32
      %broadcast_in_dim3A_66 = vector.broadcast %broadcast_in_dim3A_65 : f32 to vector<16xf32>
      %swap3A_67 = arith.index_cast %scan3A_38 : i32 to index
      %swap3A_68 = arith.constant 64 : index
      %swap3A_69 = tpu.vector_load %arg8[%swap3A_67, %swap3A_68] {strides = array<i32>} : memref<128x128xf32, #tpu.memory_space<vmem>>, vector<1x16xf32>,
      %swap3A_70 = vector.shape_cast %swap3A_69 : vector<1x16xf32> to vector<16xf32>
      %swap3A_71 = vector.shape_cast %broadcast_in_dim3A_66 : vector<16xf32> to vector<1x16xf32>
      tpu.vector_store %arg8[%swap3A_67, %swap3A_68], %swap3A_71 {strides = array<i32>} : memref<128x128xf32, #tpu.memory_space<vmem>>, vector<1x16xf32>,
      %broadcast_in_dim3A_72 = arith.constant 0.000000e+00 : f32
      %broadcast_in_dim3A_73 = vector.broadcast %broadcast_in_dim3A_72 : f32 to vector<16xf32>
      %swap3A_74 = arith.index_cast %scan3A_38 : i32 to index
      %swap3A_75 = arith.constant 80 : index
      %swap3A_76 = tpu.vector_load %arg8[%swap3A_74, %swap3A_75] {strides = array<i32>} : memref<128x128xf32, #tpu.memory_space<vmem>>, vector<1x16xf32>,
      %swap3A_77 = vector.shape_cast %swap3A_76 : vector<1x16xf32> to vector<16xf32>
      %swap3A_78 = vector.shape_cast %broadcast_in_dim3A_73 : vector<16xf32> to vector<1x16xf32>
      tpu.vector_store %arg8[%swap3A_74, %swap3A_75], %swap3A_78 {strides = array<i32>} : memref<128x128xf32, #tpu.memory_space<vmem>>, vector<1x16xf32>,
      %broadcast_in_dim3A_79 = arith.constant 0.000000e+00 : f32
      %broadcast_in_dim3A_80 = vector.broadcast %broadcast_in_dim3A_79 : f32 to vector<16xf32>
      %swap3A_81 = arith.index_cast %scan3A_38 : i32 to index
      %swap3A_82 = arith.constant 96 : index
      %swap3A_83 = tpu.vector_load %arg8[%swap3A_81, %swap3A_82] {strides = array<i32>} : memref<128x128xf32, #tpu.memory_space<vmem>>, vector<1x16xf32>,
      %swap3A_84 = vector.shape_cast %swap3A_83 : vector<1x16xf32> to vector<16xf32>
      %swap3A_85 = vector.shape_cast %broadcast_in_dim3A_80 : vector<16xf32> to vector<1x16xf32>
      tpu.vector_store %arg8[%swap3A_81, %swap3A_82], %swap3A_85 {strides = array<i32>} : memref<128x128xf32, #tpu.memory_space<vmem>>, vector<1x16xf32>,
      %broadcast_in_dim3A_86 = arith.constant 0.000000e+00 : f32
      %broadcast_in_dim3A_87 = vector.broadcast %broadcast_in_dim3A_86 : f32 to vector<16xf32>
      %swap3A_88 = arith.index_cast %scan3A_38 : i32 to index
      %swap3A_89 = arith.constant 112 : index
      %swap3A_90 = tpu.vector_load %arg8[%swap3A_88, %swap3A_89] {strides = array<i32>} : memref<128x128xf32, #tpu.memory_space<vmem>>, vector<1x16xf32>,
      %swap3A_91 = vector.shape_cast %swap3A_90 : vector<1x16xf32> to vector<16xf32>
      %swap3A_92 = vector.shape_cast %broadcast_in_dim3A_87 : vector<16xf32> to vector<1x16xf32>
      tpu.vector_store %arg8[%swap3A_88, %swap3A_89], %swap3A_92 {strides = array<i32>} : memref<128x128xf32, #tpu.memory_space<vmem>>, vector<1x16xf32>,
    }
    %scan3A_4 = arith.constant 128 : i32
    %mul3A = arith.constant 632 : i32
    %mul3A_5 = arith.muli %arg1, %mul3A : i32
    %scan3A_6 = arith.constant 0 : i32
    %scan3A_7 = arith.constant 0 : i32
    %scan3A_8 = arith.constant 4 : i32
    %scan3A_9 = arith.addi %scan3A_7, %scan3A_8 : i32
    %scan3A_10 = arith.constant 1 : i32
    scf.for %scan3A_38 = %scan3A_7 to %scan3A_9 step %scan3A_10  : i32 {
      %mul3A_39 = arith.constant 128 : i32
      %mul3A_40 = arith.muli %scan3A_38, %mul3A_39 : i32
      %add3A_41 = arith.addi %mul3A_5, %mul3A_40 : i32
      "tpu.region"() ({
        %run_scoped3A = tpu.sem_alloc : memref<!tpu.dma_semaphore, #tpu.memory_space<semaphore_mem>>
        %dma_start3A = arith.constant 0 : i32
        %dma_start3A_42 = tpu.memref_slice %arg10[%add3A_41, %dma_start3A] : memref<10112x128xf32, #tpu.memory_space<vmem_shared>> -> memref<128x128xf32, #tpu.memory_space<vmem_shared>>
        %dma_start3A_43 = arith.constant 0 : i32
        %dma_start3A_44 = tpu.memref_slice %arg10[%add3A_41, %dma_start3A_43] : memref<10112x128xf32, #tpu.memory_space<vmem_shared>> -> memref<128x128xf32, #tpu.memory_space<vmem_shared>>
        tpu.enqueue_dma source(%arg8 : memref<128x128xf32, #tpu.memory_space<vmem>>) target(%dma_start3A_44 : memref<128x128xf32, #tpu.memory_space<vmem_shared>>) target_semaphore(%run_scoped3A : memref<!tpu.dma_semaphore, #tpu.memory_space<semaphore_mem>>)
        %dma_wait3A = arith.constant 0 : i32
        %dma_wait3A_45 = tpu.memref_slice %arg10[%add3A_41, %dma_wait3A] : memref<10112x128xf32, #tpu.memory_space<vmem_shared>> -> memref<128x128xf32, #tpu.memory_space<vmem_shared>>
        %dma_wait3A_46 = arith.constant 0 : i32
        %dma_wait3A_47 = tpu.memref_slice %arg10[%add3A_41, %dma_wait3A_46] : memref<10112x128xf32, #tpu.memory_space<vmem_shared>> -> memref<128x128xf32, #tpu.memory_space<vmem_shared>>
        tpu.wait_dma2 semaphore(%run_scoped3A : memref<!tpu.dma_semaphore, #tpu.memory_space<semaphore_mem>>) src(%arg8 : memref<128x128xf32, #tpu.memory_space<vmem>>) dst(%dma_wait3A_47 : memref<128x128xf32, #tpu.memory_space<vmem_shared>>)
        tpu.yield
      }) : () -> ()
    }
    %scan3A_11 = arith.constant 4 : i32
    %add3A = arith.constant 512 : i32
    %add3A_12 = arith.addi %mul3A_5, %add3A : i32
    "tpu.region"() ({
      %run_scoped3A = tpu.sem_alloc : memref<!tpu.dma_semaphore, #tpu.memory_space<semaphore_mem>>
      %dma_start3A = arith.constant 0 : i32
      %dma_start3A_38 = arith.constant 0 : i32
      %dma_start3A_39 = tpu.memref_slice %arg8[%dma_start3A, %dma_start3A_38] : memref<128x128xf32, #tpu.memory_space<vmem>> -> memref<120x128xf32, #tpu.memory_space<vmem>>
      %dma_start3A_40 = arith.constant 0 : i32
      %dma_start3A_41 = tpu.memref_slice %arg10[%add3A_12, %dma_start3A_40] : memref<10112x128xf32, #tpu.memory_space<vmem_shared>> -> memref<120x128xf32, #tpu.memory_space<vmem_shared>>
      %dma_start3A_42 = arith.constant 0 : i32
      %dma_start3A_43 = tpu.memref_slice %arg10[%add3A_12, %dma_start3A_42] : memref<10112x128xf32, #tpu.memory_space<vmem_shared>> -> memref<120x128xf32, #tpu.memory_space<vmem_shared>>
      %dma_start3A_44 = arith.constant 0 : i32
      %dma_start3A_45 = arith.constant 0 : i32
      %dma_start3A_46 = tpu.memref_slice %arg8[%dma_start3A_44, %dma_start3A_45] : memref<128x128xf32, #tpu.memory_space<vmem>> -> memref<120x128xf32, #tpu.memory_space<vmem>>
      tpu.enqueue_dma source(%dma_start3A_46 : memref<120x128xf32, #tpu.memory_space<vmem>>) target(%dma_start3A_43 : memref<120x128xf32, #tpu.memory_space<vmem_shared>>) target_semaphore(%run_scoped3A : memref<!tpu.dma_semaphore, #tpu.memory_space<semaphore_mem>>)
      %dma_wait3A = arith.constant 0 : i32
      %dma_wait3A_47 = arith.constant 0 : i32
      %dma_wait3A_48 = tpu.memref_slice %arg8[%dma_wait3A, %dma_wait3A_47] : memref<128x128xf32, #tpu.memory_space<vmem>> -> memref<120x128xf32, #tpu.memory_space<vmem>>
      %dma_wait3A_49 = arith.constant 0 : i32
      %dma_wait3A_50 = tpu.memref_slice %arg10[%add3A_12, %dma_wait3A_49] : memref<10112x128xf32, #tpu.memory_space<vmem_shared>> -> memref<120x128xf32, #tpu.memory_space<vmem_shared>>
      %dma_wait3A_51 = arith.constant 0 : i32
      %dma_wait3A_52 = tpu.memref_slice %arg10[%add3A_12, %dma_wait3A_51] : memref<10112x128xf32, #tpu.memory_space<vmem_shared>> -> memref<120x128xf32, #tpu.memory_space<vmem_shared>>
      %dma_wait3A_53 = arith.constant 0 : i32
      %dma_wait3A_54 = arith.constant 0 : i32
      %dma_wait3A_55 = tpu.memref_slice %arg8[%dma_wait3A_53, %dma_wait3A_54] : memref<128x128xf32, #tpu.memory_space<vmem>> -> memref<120x128xf32, #tpu.memory_space<vmem>>
      tpu.wait_dma2 semaphore(%run_scoped3A : memref<!tpu.dma_semaphore, #tpu.memory_space<semaphore_mem>>) src(%dma_wait3A_55 : memref<120x128xf32, #tpu.memory_space<vmem>>) dst(%dma_wait3A_52 : memref<120x128xf32, #tpu.memory_space<vmem_shared>>)
      tpu.yield
    }) : () -> ()
    %barrier3A = arith.constant 0 : index
    tpu.barrier barrier_id(%barrier3A)
    %eq3A = arith.constant 0 : i32
    %eq3A_13 = arith.cmpi eq, %arg0, %eq3A : i32
    %jit3A = arith.constant 9 : i32
    %jit3A_14 = arith.constant 1 : i32
    %select_n3A = arith.select %eq3A_13, %jit3A, %jit3A_14 : i32
    %eq3A_15 = arith.constant 0 : i32
    %eq3A_16 = arith.cmpi eq, %arg0, %eq3A_15 : i32
    %mul3A_17 = arith.constant 9 : i32
    %mul3A_18 = arith.muli %arg1, %mul3A_17 : i32
    %mul3A_19 = arith.constant 1 : i32
    %mul3A_20 = arith.muli %arg1, %mul3A_19 : i32
    %add3A_21 = arith.constant 144 : i32
    %add3A_22 = arith.addi %add3A_21, %mul3A_20 : i32
    %select_n3A_23 = arith.select %eq3A_16, %mul3A_18, %add3A_22 : i32
    %while3A = arith.constant 0 : i32
    %while3A_24 = arith.constant 0 : i32
    %while3A_25 = arith.subi %select_n3A, %while3A_24 : i32
    %while3A_26 = arith.addi %while3A_24, %while3A_25 : i32
    %while3A_27 = arith.constant 1 : i32
    %while3A_28 = arith.divsi %while3A_25, %while3A_27 : i32
    %while3A_29 = arith.muli %while3A_28, %while3A_27 : i32
    %while3A_30 = arith.addi %while3A_24, %while3A_29 : i32
    %while3A_31 = arith.constant 1 : i32
    scf.for %while3A_38 = %while3A_24 to %while3A_30 step %while3A_31  : i32 {
      %add3A_39 = arith.addi %select_n3A_23, %while3A_38 : i32
      "tpu.region"() ({
        %run_scoped3A = tpu.sem_alloc : memref<!tpu.dma_semaphore, #tpu.memory_space<semaphore_mem>>
        %dma_start3A_58 = arith.constant 0 : i32
        %dma_start3A_59 = arith.constant 0 : i32
        %dma_start3A_60 = tpu.memref_slice %arg3[%add3A_39, %dma_start3A_58, %dma_start3A_59] : memref<160x16x128xi32, #tpu.memory_space<hbm>> -> memref<1x16x128xi32, #tpu.memory_space<hbm>>
        %dma_start3A_61 = tpu.memref_squeeze %dma_start3A_60 : memref<1x16x128xi32, #tpu.memory_space<hbm>> -> memref<16x128xi32, #tpu.memory_space<hbm>>
        %dma_start3A_62 = arith.constant 0 : i32
        %dma_start3A_63 = arith.constant 0 : i32
        %dma_start3A_64 = tpu.memref_slice %arg3[%add3A_39, %dma_start3A_62, %dma_start3A_63] : memref<160x16x128xi32, #tpu.memory_space<hbm>> -> memref<1x16x128xi32, #tpu.memory_space<hbm>>
        %dma_start3A_65 = tpu.memref_squeeze %dma_start3A_64 : memref<1x16x128xi32, #tpu.memory_space<hbm>> -> memref<16x128xi32, #tpu.memory_space<hbm>>
        tpu.enqueue_dma source(%dma_start3A_65 : memref<16x128xi32, #tpu.memory_space<hbm>>) target(%arg6 : memref<16x128xi32, #tpu.memory_space<vmem>>) target_semaphore(%run_scoped3A : memref<!tpu.dma_semaphore, #tpu.memory_space<semaphore_mem>>)
        %dma_wait3A_66 = arith.constant 0 : i32
        %dma_wait3A_67 = arith.constant 0 : i32
        %dma_wait3A_68 = tpu.memref_slice %arg3[%add3A_39, %dma_wait3A_66, %dma_wait3A_67] : memref<160x16x128xi32, #tpu.memory_space<hbm>> -> memref<1x16x128xi32, #tpu.memory_space<hbm>>
        %dma_wait3A_69 = tpu.memref_squeeze %dma_wait3A_68 : memref<1x16x128xi32, #tpu.memory_space<hbm>> -> memref<16x128xi32, #tpu.memory_space<hbm>>
        %dma_wait3A_70 = arith.constant 0 : i32
        %dma_wait3A_71 = arith.constant 0 : i32
        %dma_wait3A_72 = tpu.memref_slice %arg3[%add3A_39, %dma_wait3A_70, %dma_wait3A_71] : memref<160x16x128xi32, #tpu.memory_space<hbm>> -> memref<1x16x128xi32, #tpu.memory_space<hbm>>
        %dma_wait3A_73 = tpu.memref_squeeze %dma_wait3A_72 : memref<1x16x128xi32, #tpu.memory_space<hbm>> -> memref<16x128xi32, #tpu.memory_space<hbm>>
        tpu.wait_dma2 semaphore(%run_scoped3A : memref<!tpu.dma_semaphore, #tpu.memory_space<semaphore_mem>>) src(%dma_wait3A_73 : memref<16x128xi32, #tpu.memory_space<hbm>>) dst(%arg6 : memref<16x128xi32, #tpu.memory_space<vmem>>)
        tpu.yield
      }) : () -> ()
      "tpu.region"() ({
        %run_scoped3A = tpu.sem_alloc : memref<!tpu.dma_semaphore, #tpu.memory_space<semaphore_mem>>
        %dma_start3A_58 = arith.constant 0 : i32
        %dma_start3A_59 = arith.constant 0 : i32
        %dma_start3A_60 = tpu.memref_slice %arg4[%add3A_39, %dma_start3A_58, %dma_start3A_59] : memref<160x16x128xi32, #tpu.memory_space<hbm>> -> memref<1x16x128xi32, #tpu.memory_space<hbm>>
        %dma_start3A_61 = tpu.memref_squeeze %dma_start3A_60 : memref<1x16x128xi32, #tpu.memory_space<hbm>> -> memref<16x128xi32, #tpu.memory_space<hbm>>
        %dma_start3A_62 = arith.constant 0 : i32
        %dma_start3A_63 = arith.constant 0 : i32
        %dma_start3A_64 = tpu.memref_slice %arg4[%add3A_39, %dma_start3A_62, %dma_start3A_63] : memref<160x16x128xi32, #tpu.memory_space<hbm>> -> memref<1x16x128xi32, #tpu.memory_space<hbm>>
        %dma_start3A_65 = tpu.memref_squeeze %dma_start3A_64 : memref<1x16x128xi32, #tpu.memory_space<hbm>> -> memref<16x128xi32, #tpu.memory_space<hbm>>
        tpu.enqueue_dma source(%dma_start3A_65 : memref<16x128xi32, #tpu.memory_space<hbm>>) target(%arg7 : memref<16x128xi32, #tpu.memory_space<vmem>>) target_semaphore(%run_scoped3A : memref<!tpu.dma_semaphore, #tpu.memory_space<semaphore_mem>>)
        %dma_wait3A_66 = arith.constant 0 : i32
        %dma_wait3A_67 = arith.constant 0 : i32
        %dma_wait3A_68 = tpu.memref_slice %arg4[%add3A_39, %dma_wait3A_66, %dma_wait3A_67] : memref<160x16x128xi32, #tpu.memory_space<hbm>> -> memref<1x16x128xi32, #tpu.memory_space<hbm>>
        %dma_wait3A_69 = tpu.memref_squeeze %dma_wait3A_68 : memref<1x16x128xi32, #tpu.memory_space<hbm>> -> memref<16x128xi32, #tpu.memory_space<hbm>>
        %dma_wait3A_70 = arith.constant 0 : i32
        %dma_wait3A_71 = arith.constant 0 : i32
        %dma_wait3A_72 = tpu.memref_slice %arg4[%add3A_39, %dma_wait3A_70, %dma_wait3A_71] : memref<160x16x128xi32, #tpu.memory_space<hbm>> -> memref<1x16x128xi32, #tpu.memory_space<hbm>>
        %dma_wait3A_73 = tpu.memref_squeeze %dma_wait3A_72 : memref<1x16x128xi32, #tpu.memory_space<hbm>> -> memref<16x128xi32, #tpu.memory_space<hbm>>
        tpu.wait_dma2 semaphore(%run_scoped3A : memref<!tpu.dma_semaphore, #tpu.memory_space<semaphore_mem>>) src(%dma_wait3A_73 : memref<16x128xi32, #tpu.memory_space<hbm>>) dst(%arg7 : memref<16x128xi32, #tpu.memory_space<vmem>>)
        tpu.yield
      }) : () -> ()
      %dma_start3A = arith.constant 0 : i32
      %dma_start3A_40 = arith.constant 0 : i32
      %dma_start3A_41 = tpu.memref_slice %arg6[%dma_start3A, %dma_start3A_40] : memref<16x128xi32, #tpu.memory_space<vmem>> -> memref<1x128xi32, #tpu.memory_space<vmem>>
      %dma_start3A_42 = tpu.memref_squeeze %dma_start3A_41 : memref<1x128xi32, #tpu.memory_space<vmem>> -> memref<128xi32, #tpu.memory_space<vmem>>
      %dma_start3A_43 = arith.constant 0 : i32
      %dma_start3A_44 = arith.constant 0 : i32
      %dma_start3A_45 = tpu.memref_slice %arg2[%dma_start3A_43, %dma_start3A_44] : memref<10000x128xf32, #tpu.memory_space<hbm>> -> memref<10000x128xf32, #tpu.memory_space<hbm>>
      tpu.enqueue_indirect_dma source(%dma_start3A_45 : memref<10000x128xf32, #tpu.memory_space<hbm>>) target(%arg8 : memref<128x128xf32, #tpu.memory_space<vmem>>) offsets(%dma_start3A_42 : memref<128xi32, #tpu.memory_space<vmem>>) semaphore(%arg11 : memref<!tpu.dma_semaphore, #tpu.memory_space<semaphore_mem>>)
      %scan3A_46 = arith.constant 0 : i32
      %scan3A_47 = arith.constant 0 : i32
      %scan3A_48 = arith.constant 8 : i32
      %scan3A_49 = arith.addi %scan3A_47, %scan3A_48 : i32
      %scan3A_50 = arith.constant 1 : i32
      scf.for %scan3A_58 = %scan3A_47 to %scan3A_49 step %scan3A_50  : i32 {
        %mul3A_59 = arith.constant 2 : i32
        %mul3A_60 = arith.muli %scan3A_58, %mul3A_59 : i32
        %add3A_61 = arith.constant 0 : i32
        %add3A_62 = arith.addi %mul3A_60, %add3A_61 : i32
        %dma_wait3A_63 = arith.constant 0 : i32
        %dma_wait3A_64 = tpu.memref_slice %arg6[%add3A_62, %dma_wait3A_63] : memref<16x128xi32, #tpu.memory_space<vmem>> -> memref<1x128xi32, #tpu.memory_space<vmem>>
        %dma_wait3A_65 = tpu.memref_squeeze %dma_wait3A_64 : memref<1x128xi32, #tpu.memory_space<vmem>> -> memref<128xi32, #tpu.memory_space<vmem>>
        %dma_wait3A_66 = arith.constant 0 : i32
        %dma_wait3A_67 = arith.constant 0 : i32
        %dma_wait3A_68 = tpu.memref_slice %arg2[%dma_wait3A_66, %dma_wait3A_67] : memref<10000x128xf32, #tpu.memory_space<hbm>> -> memref<10000x128xf32, #tpu.memory_space<hbm>>
        tpu.wait_indirect_dma semaphore(%arg11 : memref<!tpu.dma_semaphore, #tpu.memory_space<semaphore_mem>>) src(%dma_wait3A_68 : memref<10000x128xf32, #tpu.memory_space<hbm>>) dst(%arg8 : memref<128x128xf32, #tpu.memory_space<vmem>>)
        %ge3A = arith.constant 1 : i32
        %ge3A_69 = arith.cmpi sge, %add3A_62, %ge3A : i32
        %convert_element_type3A = arith.extui %ge3A_69 : i1 to i32
        %cond3A = arith.constant 0 : i32
        %cond3A_70 = arith.cmpi ne, %convert_element_type3A, %cond3A : i32
        scf.if %cond3A_70 {
          %sub3A = arith.constant 1 : i32
          %sub3A_107 = arith.subi %add3A_62, %sub3A : i32
          %dma_wait3A_108 = arith.constant 0 : i32
          %dma_wait3A_109 = tpu.memref_slice %arg7[%sub3A_107, %dma_wait3A_108] : memref<16x128xi32, #tpu.memory_space<vmem>> -> memref<1x128xi32, #tpu.memory_space<vmem>>
          %dma_wait3A_110 = tpu.memref_squeeze %dma_wait3A_109 : memref<1x128xi32, #tpu.memory_space<vmem>> -> memref<128xi32, #tpu.memory_space<vmem>>
          %dma_wait3A_111 = arith.constant 0 : i32
          %dma_wait3A_112 = arith.constant 0 : i32
          %dma_wait3A_113 = tpu.memref_slice %arg10[%dma_wait3A_111, %dma_wait3A_112] : memref<10112x128xf32, #tpu.memory_space<vmem_shared>> -> memref<10112x128xf32, #tpu.memory_space<vmem_shared>>
          tpu.wait_indirect_dma semaphore(%arg14 : memref<!tpu.dma_semaphore, #tpu.memory_space<semaphore_mem>>) src(%arg9 : memref<128x128xf32, #tpu.memory_space<vmem>>) dst(%dma_wait3A_113 : memref<10112x128xf32, #tpu.memory_space<vmem_shared>>)
        } else {
        }
        %dma_start3A_71 = arith.constant 0 : i32
        %dma_start3A_72 = tpu.memref_slice %arg7[%add3A_62, %dma_start3A_71] : memref<16x128xi32, #tpu.memory_space<vmem>> -> memref<1x128xi32, #tpu.memory_space<vmem>>
        %dma_start3A_73 = tpu.memref_squeeze %dma_start3A_72 : memref<1x128xi32, #tpu.memory_space<vmem>> -> memref<128xi32, #tpu.memory_space<vmem>>
        %dma_start3A_74 = arith.constant 0 : i32
        %dma_start3A_75 = arith.constant 0 : i32
        %dma_start3A_76 = tpu.memref_slice %arg10[%dma_start3A_74, %dma_start3A_75] : memref<10112x128xf32, #tpu.memory_space<vmem_shared>> -> memref<10112x128xf32, #tpu.memory_space<vmem_shared>>
        tpu.enqueue_indirect_dma source(%arg8 : memref<128x128xf32, #tpu.memory_space<vmem>>) target(%dma_start3A_76 : memref<10112x128xf32, #tpu.memory_space<vmem_shared>>) offsets(%dma_start3A_73 : memref<128xi32, #tpu.memory_space<vmem>>) semaphore(%arg13 : memref<!tpu.dma_semaphore, #tpu.memory_space<semaphore_mem>>) {add = true}
        %lt3A = arith.constant 15 : i32
        %lt3A_77 = arith.cmpi slt, %add3A_62, %lt3A : i32
        %convert_element_type3A_78 = arith.extui %lt3A_77 : i1 to i32
        %cond3A_79 = arith.constant 0 : i32
        %cond3A_80 = arith.cmpi ne, %convert_element_type3A_78, %cond3A_79 : i32
        scf.if %cond3A_80 {
          %add3A_107 = arith.constant 1 : i32
          %add3A_108 = arith.addi %add3A_62, %add3A_107 : i32
          %dma_start3A_109 = arith.constant 0 : i32
          %dma_start3A_110 = tpu.memref_slice %arg6[%add3A_108, %dma_start3A_109] : memref<16x128xi32, #tpu.memory_space<vmem>> -> memref<1x128xi32, #tpu.memory_space<vmem>>
          %dma_start3A_111 = tpu.memref_squeeze %dma_start3A_110 : memref<1x128xi32, #tpu.memory_space<vmem>> -> memref<128xi32, #tpu.memory_space<vmem>>
          %dma_start3A_112 = arith.constant 0 : i32
          %dma_start3A_113 = arith.constant 0 : i32
          %dma_start3A_114 = tpu.memref_slice %arg2[%dma_start3A_112, %dma_start3A_113] : memref<10000x128xf32, #tpu.memory_space<hbm>> -> memref<10000x128xf32, #tpu.memory_space<hbm>>
          tpu.enqueue_indirect_dma source(%dma_start3A_114 : memref<10000x128xf32, #tpu.memory_space<hbm>>) target(%arg9 : memref<128x128xf32, #tpu.memory_space<vmem>>) offsets(%dma_start3A_111 : memref<128xi32, #tpu.memory_space<vmem>>) semaphore(%arg12 : memref<!tpu.dma_semaphore, #tpu.memory_space<semaphore_mem>>)
        } else {
        }
        %mul3A_81 = arith.constant 2 : i32
        %mul3A_82 = arith.muli %scan3A_58, %mul3A_81 : i32
        %add3A_83 = arith.constant 1 : i32
        %add3A_84 = arith.addi %mul3A_82, %add3A_83 : i32
        %dma_wait3A_85 = arith.constant 0 : i32
        %dma_wait3A_86 = tpu.memref_slice %arg6[%add3A_84, %dma_wait3A_85] : memref<16x128xi32, #tpu.memory_space<vmem>> -> memref<1x128xi32, #tpu.memory_space<vmem>>
        %dma_wait3A_87 = tpu.memref_squeeze %dma_wait3A_86 : memref<1x128xi32, #tpu.memory_space<vmem>> -> memref<128xi32, #tpu.memory_space<vmem>>
        %dma_wait3A_88 = arith.constant 0 : i32
        %dma_wait3A_89 = arith.constant 0 : i32
        %dma_wait3A_90 = tpu.memref_slice %arg2[%dma_wait3A_88, %dma_wait3A_89] : memref<10000x128xf32, #tpu.memory_space<hbm>> -> memref<10000x128xf32, #tpu.memory_space<hbm>>
        tpu.wait_indirect_dma semaphore(%arg12 : memref<!tpu.dma_semaphore, #tpu.memory_space<semaphore_mem>>) src(%dma_wait3A_90 : memref<10000x128xf32, #tpu.memory_space<hbm>>) dst(%arg9 : memref<128x128xf32, #tpu.memory_space<vmem>>)
        %ge3A_91 = arith.constant 1 : i32
        %ge3A_92 = arith.cmpi sge, %add3A_84, %ge3A_91 : i32
        %convert_element_type3A_93 = arith.extui %ge3A_92 : i1 to i32
        %cond3A_94 = arith.constant 0 : i32
        %cond3A_95 = arith.cmpi ne, %convert_element_type3A_93, %cond3A_94 : i32
        scf.if %cond3A_95 {
          %sub3A = arith.constant 1 : i32
          %sub3A_107 = arith.subi %add3A_84, %sub3A : i32
          %dma_wait3A_108 = arith.constant 0 : i32
          %dma_wait3A_109 = tpu.memref_slice %arg7[%sub3A_107, %dma_wait3A_108] : memref<16x128xi32, #tpu.memory_space<vmem>> -> memref<1x128xi32, #tpu.memory_space<vmem>>
          %dma_wait3A_110 = tpu.memref_squeeze %dma_wait3A_109 : memref<1x128xi32, #tpu.memory_space<vmem>> -> memref<128xi32, #tpu.memory_space<vmem>>
          %dma_wait3A_111 = arith.constant 0 : i32
          %dma_wait3A_112 = arith.constant 0 : i32
          %dma_wait3A_113 = tpu.memref_slice %arg10[%dma_wait3A_111, %dma_wait3A_112] : memref<10112x128xf32, #tpu.memory_space<vmem_shared>> -> memref<10112x128xf32, #tpu.memory_space<vmem_shared>>
          tpu.wait_indirect_dma semaphore(%arg13 : memref<!tpu.dma_semaphore, #tpu.memory_space<semaphore_mem>>) src(%arg8 : memref<128x128xf32, #tpu.memory_space<vmem>>) dst(%dma_wait3A_113 : memref<10112x128xf32, #tpu.memory_space<vmem_shared>>)
        } else {
        }
        %dma_start3A_96 = arith.constant 0 : i32
        %dma_start3A_97 = tpu.memref_slice %arg7[%add3A_84, %dma_start3A_96] : memref<16x128xi32, #tpu.memory_space<vmem>> -> memref<1x128xi32, #tpu.memory_space<vmem>>
        %dma_start3A_98 = tpu.memref_squeeze %dma_start3A_97 : memref<1x128xi32, #tpu.memory_space<vmem>> -> memref<128xi32, #tpu.memory_space<vmem>>
        %dma_start3A_99 = arith.constant 0 : i32
        %dma_start3A_100 = arith.constant 0 : i32
        %dma_start3A_101 = tpu.memref_slice %arg10[%dma_start3A_99, %dma_start3A_100] : memref<10112x128xf32, #tpu.memory_space<vmem_shared>> -> memref<10112x128xf32, #tpu.memory_space<vmem_shared>>
        tpu.enqueue_indirect_dma source(%arg9 : memref<128x128xf32, #tpu.memory_space<vmem>>) target(%dma_start3A_101 : memref<10112x128xf32, #tpu.memory_space<vmem_shared>>) offsets(%dma_start3A_98 : memref<128xi32, #tpu.memory_space<vmem>>) semaphore(%arg14 : memref<!tpu.dma_semaphore, #tpu.memory_space<semaphore_mem>>) {add = true}
        %lt3A_102 = arith.constant 15 : i32
        %lt3A_103 = arith.cmpi slt, %add3A_84, %lt3A_102 : i32
        %convert_element_type3A_104 = arith.extui %lt3A_103 : i1 to i32
        %cond3A_105 = arith.constant 0 : i32
        %cond3A_106 = arith.cmpi ne, %convert_element_type3A_104, %cond3A_105 : i32
        scf.if %cond3A_106 {
          %add3A_107 = arith.constant 1 : i32
          %add3A_108 = arith.addi %add3A_84, %add3A_107 : i32
          %dma_start3A_109 = arith.constant 0 : i32
          %dma_start3A_110 = tpu.memref_slice %arg6[%add3A_108, %dma_start3A_109] : memref<16x128xi32, #tpu.memory_space<vmem>> -> memref<1x128xi32, #tpu.memory_space<vmem>>
          %dma_start3A_111 = tpu.memref_squeeze %dma_start3A_110 : memref<1x128xi32, #tpu.memory_space<vmem>> -> memref<128xi32, #tpu.memory_space<vmem>>
          %dma_start3A_112 = arith.constant 0 : i32
          %dma_start3A_113 = arith.constant 0 : i32
          %dma_start3A_114 = tpu.memref_slice %arg2[%dma_start3A_112, %dma_start3A_113] : memref<10000x128xf32, #tpu.memory_space<hbm>> -> memref<10000x128xf32, #tpu.memory_space<hbm>>
          tpu.enqueue_indirect_dma source(%dma_start3A_114 : memref<10000x128xf32, #tpu.memory_space<hbm>>) target(%arg8 : memref<128x128xf32, #tpu.memory_space<vmem>>) offsets(%dma_start3A_111 : memref<128xi32, #tpu.memory_space<vmem>>) semaphore(%arg11 : memref<!tpu.dma_semaphore, #tpu.memory_space<semaphore_mem>>)
        } else {
        }
      }
      %scan3A_51 = arith.constant 8 : i32
      %dma_wait3A = arith.constant 15 : i32
      %dma_wait3A_52 = arith.constant 0 : i32
      %dma_wait3A_53 = tpu.memref_slice %arg7[%dma_wait3A, %dma_wait3A_52] : memref<16x128xi32, #tpu.memory_space<vmem>> -> memref<1x128xi32, #tpu.memory_space<vmem>>
      %dma_wait3A_54 = tpu.memref_squeeze %dma_wait3A_53 : memref<1x128xi32, #tpu.memory_space<vmem>> -> memref<128xi32, #tpu.memory_space<vmem>>
      %dma_wait3A_55 = arith.constant 0 : i32
      %dma_wait3A_56 = arith.constant 0 : i32
      %dma_wait3A_57 = tpu.memref_slice %arg10[%dma_wait3A_55, %dma_wait3A_56] : memref<10112x128xf32, #tpu.memory_space<vmem_shared>> -> memref<10112x128xf32, #tpu.memory_space<vmem_shared>>
      tpu.wait_indirect_dma semaphore(%arg14 : memref<!tpu.dma_semaphore, #tpu.memory_space<semaphore_mem>>) src(%arg9 : memref<128x128xf32, #tpu.memory_space<vmem>>) dst(%dma_wait3A_57 : memref<10112x128xf32, #tpu.memory_space<vmem_shared>>)
    }
    %while3A_32 = arith.constant 1 : i32
    scf.for %while3A_38 = %while3A_30 to %while3A_26 step %while3A_32  : i32 {
      %add3A_39 = arith.addi %select_n3A_23, %while3A_38 : i32
      "tpu.region"() ({
        %run_scoped3A = tpu.sem_alloc : memref<!tpu.dma_semaphore, #tpu.memory_space<semaphore_mem>>
        %dma_start3A_58 = arith.constant 0 : i32
        %dma_start3A_59 = arith.constant 0 : i32
        %dma_start3A_60 = tpu.memref_slice %arg3[%add3A_39, %dma_start3A_58, %dma_start3A_59] : memref<160x16x128xi32, #tpu.memory_space<hbm>> -> memref<1x16x128xi32, #tpu.memory_space<hbm>>
        %dma_start3A_61 = tpu.memref_squeeze %dma_start3A_60 : memref<1x16x128xi32, #tpu.memory_space<hbm>> -> memref<16x128xi32, #tpu.memory_space<hbm>>
        %dma_start3A_62 = arith.constant 0 : i32
        %dma_start3A_63 = arith.constant 0 : i32
        %dma_start3A_64 = tpu.memref_slice %arg3[%add3A_39, %dma_start3A_62, %dma_start3A_63] : memref<160x16x128xi32, #tpu.memory_space<hbm>> -> memref<1x16x128xi32, #tpu.memory_space<hbm>>
        %dma_start3A_65 = tpu.memref_squeeze %dma_start3A_64 : memref<1x16x128xi32, #tpu.memory_space<hbm>> -> memref<16x128xi32, #tpu.memory_space<hbm>>
        tpu.enqueue_dma source(%dma_start3A_65 : memref<16x128xi32, #tpu.memory_space<hbm>>) target(%arg6 : memref<16x128xi32, #tpu.memory_space<vmem>>) target_semaphore(%run_scoped3A : memref<!tpu.dma_semaphore, #tpu.memory_space<semaphore_mem>>)
        %dma_wait3A_66 = arith.constant 0 : i32
        %dma_wait3A_67 = arith.constant 0 : i32
        %dma_wait3A_68 = tpu.memref_slice %arg3[%add3A_39, %dma_wait3A_66, %dma_wait3A_67] : memref<160x16x128xi32, #tpu.memory_space<hbm>> -> memref<1x16x128xi32, #tpu.memory_space<hbm>>
        %dma_wait3A_69 = tpu.memref_squeeze %dma_wait3A_68 : memref<1x16x128xi32, #tpu.memory_space<hbm>> -> memref<16x128xi32, #tpu.memory_space<hbm>>
        %dma_wait3A_70 = arith.constant 0 : i32
        %dma_wait3A_71 = arith.constant 0 : i32
        %dma_wait3A_72 = tpu.memref_slice %arg3[%add3A_39, %dma_wait3A_70, %dma_wait3A_71] : memref<160x16x128xi32, #tpu.memory_space<hbm>> -> memref<1x16x128xi32, #tpu.memory_space<hbm>>
        %dma_wait3A_73 = tpu.memref_squeeze %dma_wait3A_72 : memref<1x16x128xi32, #tpu.memory_space<hbm>> -> memref<16x128xi32, #tpu.memory_space<hbm>>
        tpu.wait_dma2 semaphore(%run_scoped3A : memref<!tpu.dma_semaphore, #tpu.memory_space<semaphore_mem>>) src(%dma_wait3A_73 : memref<16x128xi32, #tpu.memory_space<hbm>>) dst(%arg6 : memref<16x128xi32, #tpu.memory_space<vmem>>)
        tpu.yield
      }) : () -> ()
      "tpu.region"() ({
        %run_scoped3A = tpu.sem_alloc : memref<!tpu.dma_semaphore, #tpu.memory_space<semaphore_mem>>
        %dma_start3A_58 = arith.constant 0 : i32
        %dma_start3A_59 = arith.constant 0 : i32
        %dma_start3A_60 = tpu.memref_slice %arg4[%add3A_39, %dma_start3A_58, %dma_start3A_59] : memref<160x16x128xi32, #tpu.memory_space<hbm>> -> memref<1x16x128xi32, #tpu.memory_space<hbm>>
        %dma_start3A_61 = tpu.memref_squeeze %dma_start3A_60 : memref<1x16x128xi32, #tpu.memory_space<hbm>> -> memref<16x128xi32, #tpu.memory_space<hbm>>
        %dma_start3A_62 = arith.constant 0 : i32
        %dma_start3A_63 = arith.constant 0 : i32
        %dma_start3A_64 = tpu.memref_slice %arg4[%add3A_39, %dma_start3A_62, %dma_start3A_63] : memref<160x16x128xi32, #tpu.memory_space<hbm>> -> memref<1x16x128xi32, #tpu.memory_space<hbm>>
        %dma_start3A_65 = tpu.memref_squeeze %dma_start3A_64 : memref<1x16x128xi32, #tpu.memory_space<hbm>> -> memref<16x128xi32, #tpu.memory_space<hbm>>
        tpu.enqueue_dma source(%dma_start3A_65 : memref<16x128xi32, #tpu.memory_space<hbm>>) target(%arg7 : memref<16x128xi32, #tpu.memory_space<vmem>>) target_semaphore(%run_scoped3A : memref<!tpu.dma_semaphore, #tpu.memory_space<semaphore_mem>>)
        %dma_wait3A_66 = arith.constant 0 : i32
        %dma_wait3A_67 = arith.constant 0 : i32
        %dma_wait3A_68 = tpu.memref_slice %arg4[%add3A_39, %dma_wait3A_66, %dma_wait3A_67] : memref<160x16x128xi32, #tpu.memory_space<hbm>> -> memref<1x16x128xi32, #tpu.memory_space<hbm>>
        %dma_wait3A_69 = tpu.memref_squeeze %dma_wait3A_68 : memref<1x16x128xi32, #tpu.memory_space<hbm>> -> memref<16x128xi32, #tpu.memory_space<hbm>>
        %dma_wait3A_70 = arith.constant 0 : i32
        %dma_wait3A_71 = arith.constant 0 : i32
        %dma_wait3A_72 = tpu.memref_slice %arg4[%add3A_39, %dma_wait3A_70, %dma_wait3A_71] : memref<160x16x128xi32, #tpu.memory_space<hbm>> -> memref<1x16x128xi32, #tpu.memory_space<hbm>>
        %dma_wait3A_73 = tpu.memref_squeeze %dma_wait3A_72 : memref<1x16x128xi32, #tpu.memory_space<hbm>> -> memref<16x128xi32, #tpu.memory_space<hbm>>
        tpu.wait_dma2 semaphore(%run_scoped3A : memref<!tpu.dma_semaphore, #tpu.memory_space<semaphore_mem>>) src(%dma_wait3A_73 : memref<16x128xi32, #tpu.memory_space<hbm>>) dst(%arg7 : memref<16x128xi32, #tpu.memory_space<vmem>>)
        tpu.yield
      }) : () -> ()
      %dma_start3A = arith.constant 0 : i32
      %dma_start3A_40 = arith.constant 0 : i32
      %dma_start3A_41 = tpu.memref_slice %arg6[%dma_start3A, %dma_start3A_40] : memref<16x128xi32, #tpu.memory_space<vmem>> -> memref<1x128xi32, #tpu.memory_space<vmem>>
      %dma_start3A_42 = tpu.memref_squeeze %dma_start3A_41 : memref<1x128xi32, #tpu.memory_space<vmem>> -> memref<128xi32, #tpu.memory_space<vmem>>
      %dma_start3A_43 = arith.constant 0 : i32
      %dma_start3A_44 = arith.constant 0 : i32
      %dma_start3A_45 = tpu.memref_slice %arg2[%dma_start3A_43, %dma_start3A_44] : memref<10000x128xf32, #tpu.memory_space<hbm>> -> memref<10000x128xf32, #tpu.memory_space<hbm>>
      tpu.enqueue_indirect_dma source(%dma_start3A_45 : memref<10000x128xf32, #tpu.memory_space<hbm>>) target(%arg8 : memref<128x128xf32, #tpu.memory_space<vmem>>) offsets(%dma_start3A_42 : memref<128xi32, #tpu.memory_space<vmem>>) semaphore(%arg11 : memref<!tpu.dma_semaphore, #tpu.memory_space<semaphore_mem>>)
      %scan3A_46 = arith.constant 0 : i32
      %scan3A_47 = arith.constant 0 : i32
      %scan3A_48 = arith.constant 8 : i32
      %scan3A_49 = arith.addi %scan3A_47, %scan3A_48 : i32
      %scan3A_50 = arith.constant 1 : i32
      scf.for %scan3A_58 = %scan3A_47 to %scan3A_49 step %scan3A_50  : i32 {
        %mul3A_59 = arith.constant 2 : i32
        %mul3A_60 = arith.muli %scan3A_58, %mul3A_59 : i32
        %add3A_61 = arith.constant 0 : i32
        %add3A_62 = arith.addi %mul3A_60, %add3A_61 : i32
        %dma_wait3A_63 = arith.constant 0 : i32
        %dma_wait3A_64 = tpu.memref_slice %arg6[%add3A_62, %dma_wait3A_63] : memref<16x128xi32, #tpu.memory_space<vmem>> -> memref<1x128xi32, #tpu.memory_space<vmem>>
        %dma_wait3A_65 = tpu.memref_squeeze %dma_wait3A_64 : memref<1x128xi32, #tpu.memory_space<vmem>> -> memref<128xi32, #tpu.memory_space<vmem>>
        %dma_wait3A_66 = arith.constant 0 : i32
        %dma_wait3A_67 = arith.constant 0 : i32
        %dma_wait3A_68 = tpu.memref_slice %arg2[%dma_wait3A_66, %dma_wait3A_67] : memref<10000x128xf32, #tpu.memory_space<hbm>> -> memref<10000x128xf32, #tpu.memory_space<hbm>>
        tpu.wait_indirect_dma semaphore(%arg11 : memref<!tpu.dma_semaphore, #tpu.memory_space<semaphore_mem>>) src(%dma_wait3A_68 : memref<10000x128xf32, #tpu.memory_space<hbm>>) dst(%arg8 : memref<128x128xf32, #tpu.memory_space<vmem>>)
        %ge3A = arith.constant 1 : i32
        %ge3A_69 = arith.cmpi sge, %add3A_62, %ge3A : i32
        %convert_element_type3A = arith.extui %ge3A_69 : i1 to i32
        %cond3A = arith.constant 0 : i32
        %cond3A_70 = arith.cmpi ne, %convert_element_type3A, %cond3A : i32
        scf.if %cond3A_70 {
          %sub3A = arith.constant 1 : i32
          %sub3A_107 = arith.subi %add3A_62, %sub3A : i32
          %dma_wait3A_108 = arith.constant 0 : i32
          %dma_wait3A_109 = tpu.memref_slice %arg7[%sub3A_107, %dma_wait3A_108] : memref<16x128xi32, #tpu.memory_space<vmem>> -> memref<1x128xi32, #tpu.memory_space<vmem>>
          %dma_wait3A_110 = tpu.memref_squeeze %dma_wait3A_109 : memref<1x128xi32, #tpu.memory_space<vmem>> -> memref<128xi32, #tpu.memory_space<vmem>>
          %dma_wait3A_111 = arith.constant 0 : i32
          %dma_wait3A_112 = arith.constant 0 : i32
          %dma_wait3A_113 = tpu.memref_slice %arg10[%dma_wait3A_111, %dma_wait3A_112] : memref<10112x128xf32, #tpu.memory_space<vmem_shared>> -> memref<10112x128xf32, #tpu.memory_space<vmem_shared>>
          tpu.wait_indirect_dma semaphore(%arg14 : memref<!tpu.dma_semaphore, #tpu.memory_space<semaphore_mem>>) src(%arg9 : memref<128x128xf32, #tpu.memory_space<vmem>>) dst(%dma_wait3A_113 : memref<10112x128xf32, #tpu.memory_space<vmem_shared>>)
        } else {
        }
        %dma_start3A_71 = arith.constant 0 : i32
        %dma_start3A_72 = tpu.memref_slice %arg7[%add3A_62, %dma_start3A_71] : memref<16x128xi32, #tpu.memory_space<vmem>> -> memref<1x128xi32, #tpu.memory_space<vmem>>
        %dma_start3A_73 = tpu.memref_squeeze %dma_start3A_72 : memref<1x128xi32, #tpu.memory_space<vmem>> -> memref<128xi32, #tpu.memory_space<vmem>>
        %dma_start3A_74 = arith.constant 0 : i32
        %dma_start3A_75 = arith.constant 0 : i32
        %dma_start3A_76 = tpu.memref_slice %arg10[%dma_start3A_74, %dma_start3A_75] : memref<10112x128xf32, #tpu.memory_space<vmem_shared>> -> memref<10112x128xf32, #tpu.memory_space<vmem_shared>>
        tpu.enqueue_indirect_dma source(%arg8 : memref<128x128xf32, #tpu.memory_space<vmem>>) target(%dma_start3A_76 : memref<10112x128xf32, #tpu.memory_space<vmem_shared>>) offsets(%dma_start3A_73 : memref<128xi32, #tpu.memory_space<vmem>>) semaphore(%arg13 : memref<!tpu.dma_semaphore, #tpu.memory_space<semaphore_mem>>) {add = true}
        %lt3A = arith.constant 15 : i32
        %lt3A_77 = arith.cmpi slt, %add3A_62, %lt3A : i32
        %convert_element_type3A_78 = arith.extui %lt3A_77 : i1 to i32
        %cond3A_79 = arith.constant 0 : i32
        %cond3A_80 = arith.cmpi ne, %convert_element_type3A_78, %cond3A_79 : i32
        scf.if %cond3A_80 {
          %add3A_107 = arith.constant 1 : i32
          %add3A_108 = arith.addi %add3A_62, %add3A_107 : i32
          %dma_start3A_109 = arith.constant 0 : i32
          %dma_start3A_110 = tpu.memref_slice %arg6[%add3A_108, %dma_start3A_109] : memref<16x128xi32, #tpu.memory_space<vmem>> -> memref<1x128xi32, #tpu.memory_space<vmem>>
          %dma_start3A_111 = tpu.memref_squeeze %dma_start3A_110 : memref<1x128xi32, #tpu.memory_space<vmem>> -> memref<128xi32, #tpu.memory_space<vmem>>
          %dma_start3A_112 = arith.constant 0 : i32
          %dma_start3A_113 = arith.constant 0 : i32
          %dma_start3A_114 = tpu.memref_slice %arg2[%dma_start3A_112, %dma_start3A_113] : memref<10000x128xf32, #tpu.memory_space<hbm>> -> memref<10000x128xf32, #tpu.memory_space<hbm>>
          tpu.enqueue_indirect_dma source(%dma_start3A_114 : memref<10000x128xf32, #tpu.memory_space<hbm>>) target(%arg9 : memref<128x128xf32, #tpu.memory_space<vmem>>) offsets(%dma_start3A_111 : memref<128xi32, #tpu.memory_space<vmem>>) semaphore(%arg12 : memref<!tpu.dma_semaphore, #tpu.memory_space<semaphore_mem>>)
        } else {
        }
        %mul3A_81 = arith.constant 2 : i32
        %mul3A_82 = arith.muli %scan3A_58, %mul3A_81 : i32
        %add3A_83 = arith.constant 1 : i32
        %add3A_84 = arith.addi %mul3A_82, %add3A_83 : i32
        %dma_wait3A_85 = arith.constant 0 : i32
        %dma_wait3A_86 = tpu.memref_slice %arg6[%add3A_84, %dma_wait3A_85] : memref<16x128xi32, #tpu.memory_space<vmem>> -> memref<1x128xi32, #tpu.memory_space<vmem>>
        %dma_wait3A_87 = tpu.memref_squeeze %dma_wait3A_86 : memref<1x128xi32, #tpu.memory_space<vmem>> -> memref<128xi32, #tpu.memory_space<vmem>>
        %dma_wait3A_88 = arith.constant 0 : i32
        %dma_wait3A_89 = arith.constant 0 : i32
        %dma_wait3A_90 = tpu.memref_slice %arg2[%dma_wait3A_88, %dma_wait3A_89] : memref<10000x128xf32, #tpu.memory_space<hbm>> -> memref<10000x128xf32, #tpu.memory_space<hbm>>
        tpu.wait_indirect_dma semaphore(%arg12 : memref<!tpu.dma_semaphore, #tpu.memory_space<semaphore_mem>>) src(%dma_wait3A_90 : memref<10000x128xf32, #tpu.memory_space<hbm>>) dst(%arg9 : memref<128x128xf32, #tpu.memory_space<vmem>>)
        %ge3A_91 = arith.constant 1 : i32
        %ge3A_92 = arith.cmpi sge, %add3A_84, %ge3A_91 : i32
        %convert_element_type3A_93 = arith.extui %ge3A_92 : i1 to i32
        %cond3A_94 = arith.constant 0 : i32
        %cond3A_95 = arith.cmpi ne, %convert_element_type3A_93, %cond3A_94 : i32
        scf.if %cond3A_95 {
          %sub3A = arith.constant 1 : i32
          %sub3A_107 = arith.subi %add3A_84, %sub3A : i32
          %dma_wait3A_108 = arith.constant 0 : i32
          %dma_wait3A_109 = tpu.memref_slice %arg7[%sub3A_107, %dma_wait3A_108] : memref<16x128xi32, #tpu.memory_space<vmem>> -> memref<1x128xi32, #tpu.memory_space<vmem>>
          %dma_wait3A_110 = tpu.memref_squeeze %dma_wait3A_109 : memref<1x128xi32, #tpu.memory_space<vmem>> -> memref<128xi32, #tpu.memory_space<vmem>>
          %dma_wait3A_111 = arith.constant 0 : i32
          %dma_wait3A_112 = arith.constant 0 : i32
          %dma_wait3A_113 = tpu.memref_slice %arg10[%dma_wait3A_111, %dma_wait3A_112] : memref<10112x128xf32, #tpu.memory_space<vmem_shared>> -> memref<10112x128xf32, #tpu.memory_space<vmem_shared>>
          tpu.wait_indirect_dma semaphore(%arg13 : memref<!tpu.dma_semaphore, #tpu.memory_space<semaphore_mem>>) src(%arg8 : memref<128x128xf32, #tpu.memory_space<vmem>>) dst(%dma_wait3A_113 : memref<10112x128xf32, #tpu.memory_space<vmem_shared>>)
        } else {
        }
        %dma_start3A_96 = arith.constant 0 : i32
        %dma_start3A_97 = tpu.memref_slice %arg7[%add3A_84, %dma_start3A_96] : memref<16x128xi32, #tpu.memory_space<vmem>> -> memref<1x128xi32, #tpu.memory_space<vmem>>
        %dma_start3A_98 = tpu.memref_squeeze %dma_start3A_97 : memref<1x128xi32, #tpu.memory_space<vmem>> -> memref<128xi32, #tpu.memory_space<vmem>>
        %dma_start3A_99 = arith.constant 0 : i32
        %dma_start3A_100 = arith.constant 0 : i32
        %dma_start3A_101 = tpu.memref_slice %arg10[%dma_start3A_99, %dma_start3A_100] : memref<10112x128xf32, #tpu.memory_space<vmem_shared>> -> memref<10112x128xf32, #tpu.memory_space<vmem_shared>>
        tpu.enqueue_indirect_dma source(%arg9 : memref<128x128xf32, #tpu.memory_space<vmem>>) target(%dma_start3A_101 : memref<10112x128xf32, #tpu.memory_space<vmem_shared>>) offsets(%dma_start3A_98 : memref<128xi32, #tpu.memory_space<vmem>>) semaphore(%arg14 : memref<!tpu.dma_semaphore, #tpu.memory_space<semaphore_mem>>) {add = true}
        %lt3A_102 = arith.constant 15 : i32
        %lt3A_103 = arith.cmpi slt, %add3A_84, %lt3A_102 : i32
        %convert_element_type3A_104 = arith.extui %lt3A_103 : i1 to i32
        %cond3A_105 = arith.constant 0 : i32
        %cond3A_106 = arith.cmpi ne, %convert_element_type3A_104, %cond3A_105 : i32
        scf.if %cond3A_106 {
          %add3A_107 = arith.constant 1 : i32
          %add3A_108 = arith.addi %add3A_84, %add3A_107 : i32
          %dma_start3A_109 = arith.constant 0 : i32
          %dma_start3A_110 = tpu.memref_slice %arg6[%add3A_108, %dma_start3A_109] : memref<16x128xi32, #tpu.memory_space<vmem>> -> memref<1x128xi32, #tpu.memory_space<vmem>>
          %dma_start3A_111 = tpu.memref_squeeze %dma_start3A_110 : memref<1x128xi32, #tpu.memory_space<vmem>> -> memref<128xi32, #tpu.memory_space<vmem>>
          %dma_start3A_112 = arith.constant 0 : i32
          %dma_start3A_113 = arith.constant 0 : i32
          %dma_start3A_114 = tpu.memref_slice %arg2[%dma_start3A_112, %dma_start3A_113] : memref<10000x128xf32, #tpu.memory_space<hbm>> -> memref<10000x128xf32, #tpu.memory_space<hbm>>
          tpu.enqueue_indirect_dma source(%dma_start3A_114 : memref<10000x128xf32, #tpu.memory_space<hbm>>) target(%arg8 : memref<128x128xf32, #tpu.memory_space<vmem>>) offsets(%dma_start3A_111 : memref<128xi32, #tpu.memory_space<vmem>>) semaphore(%arg11 : memref<!tpu.dma_semaphore, #tpu.memory_space<semaphore_mem>>)
        } else {
        }
      }
      %scan3A_51 = arith.constant 8 : i32
      %dma_wait3A = arith.constant 15 : i32
      %dma_wait3A_52 = arith.constant 0 : i32
      %dma_wait3A_53 = tpu.memref_slice %arg7[%dma_wait3A, %dma_wait3A_52] : memref<16x128xi32, #tpu.memory_space<vmem>> -> memref<1x128xi32, #tpu.memory_space<vmem>>
      %dma_wait3A_54 = tpu.memref_squeeze %dma_wait3A_53 : memref<1x128xi32, #tpu.memory_space<vmem>> -> memref<128xi32, #tpu.memory_space<vmem>>
      %dma_wait3A_55 = arith.constant 0 : i32
      %dma_wait3A_56 = arith.constant 0 : i32
      %dma_wait3A_57 = tpu.memref_slice %arg10[%dma_wait3A_55, %dma_wait3A_56] : memref<10112x128xf32, #tpu.memory_space<vmem_shared>> -> memref<10112x128xf32, #tpu.memory_space<vmem_shared>>
      tpu.wait_indirect_dma semaphore(%arg14 : memref<!tpu.dma_semaphore, #tpu.memory_space<semaphore_mem>>) src(%arg9 : memref<128x128xf32, #tpu.memory_space<vmem>>) dst(%dma_wait3A_57 : memref<10112x128xf32, #tpu.memory_space<vmem_shared>>)
    }
    %barrier3A_33 = arith.constant 0 : index
    tpu.barrier barrier_id(%barrier3A_33)
    %mul3A_34 = arith.constant 632 : i32
    %mul3A_35 = arith.muli %arg1, %mul3A_34 : i32
    %mul3A_36 = arith.constant 632 : i32
    %mul3A_37 = arith.muli %arg1, %mul3A_36 : i32
    "tpu.region"() ({
      %run_scoped3A = tpu.sem_alloc : memref<!tpu.dma_semaphore, #tpu.memory_space<semaphore_mem>>
      %dma_start3A = arith.constant 0 : i32
      %dma_start3A_38 = tpu.memref_slice %arg5[%arg0, %mul3A_37, %dma_start3A] : memref<2x10112x128xf32, #tpu.memory_space<hbm>> -> memref<1x632x128xf32, #tpu.memory_space<hbm>>
      %dma_start3A_39 = tpu.memref_squeeze %dma_start3A_38 : memref<1x632x128xf32, #tpu.memory_space<hbm>> -> memref<632x128xf32, #tpu.memory_space<hbm>>
      %dma_start3A_40 = arith.constant 0 : i32
      %dma_start3A_41 = tpu.memref_slice %arg10[%mul3A_35, %dma_start3A_40] : memref<10112x128xf32, #tpu.memory_space<vmem_shared>> -> memref<632x128xf32, #tpu.memory_space<vmem_shared>>
      tpu.enqueue_dma source(%dma_start3A_41 : memref<632x128xf32, #tpu.memory_space<vmem_shared>>) target(%dma_start3A_39 : memref<632x128xf32, #tpu.memory_space<hbm>>) target_semaphore(%run_scoped3A : memref<!tpu.dma_semaphore, #tpu.memory_space<semaphore_mem>>)
      %dma_wait3A = arith.constant 0 : i32
      %dma_wait3A_42 = tpu.memref_slice %arg5[%arg0, %mul3A_37, %dma_wait3A] : memref<2x10112x128xf32, #tpu.memory_space<hbm>> -> memref<1x632x128xf32, #tpu.memory_space<hbm>>
      %dma_wait3A_43 = tpu.memref_squeeze %dma_wait3A_42 : memref<1x632x128xf32, #tpu.memory_space<hbm>> -> memref<632x128xf32, #tpu.memory_space<hbm>>
      %dma_wait3A_44 = arith.constant 0 : i32
      %dma_wait3A_45 = tpu.memref_slice %arg10[%mul3A_35, %dma_wait3A_44] : memref<10112x128xf32, #tpu.memory_space<vmem_shared>> -> memref<632x128xf32, #tpu.memory_space<vmem_shared>>
      tpu.wait_dma2 semaphore(%run_scoped3A : memref<!tpu.dma_semaphore, #tpu.memory_space<semaphore_mem>>) src(%dma_wait3A_45 : memref<632x128xf32, #tpu.memory_space<vmem_shared>>) dst(%dma_wait3A_43 : memref<632x128xf32, #tpu.memory_space<hbm>>)
      tpu.yield
    }) : () -> ()
    return
  }
}

#map = affine_map<(d0, d1) -> (0, 0)>
#map1 = affine_map<(d0, d1) -> (0, 0, 0)>
module attributes {stable_mosaic.version = 14 : i64} {
  func.func @_agg_body(%arg0: i32, %arg1: i32, %arg2: memref<10000x128xf32, #tpu.memory_space<hbm>>, %arg3: memref<160x16x128xi32, #tpu.memory_space<hbm>>, %arg4: memref<160x16x128xi32, #tpu.memory_space<hbm>>, %arg5: memref<2x10112x128xf32, #tpu.memory_space<hbm>>, %arg6: memref<16x128xi32, #tpu.memory_space<vmem>>, %arg7: memref<16x128xi32, #tpu.memory_space<vmem>>, %arg8: memref<128x128xf32, #tpu.memory_space<vmem>>, %arg9: memref<128x128xf32, #tpu.memory_space<vmem>>, %arg10: memref<10112x128xf32, #tpu.memory_space<vmem_shared>>, %arg11: memref<!tpu.dma_semaphore, #tpu.memory_space<semaphore_mem>>, %arg12: memref<!tpu.dma_semaphore, #tpu.memory_space<semaphore_mem>>, %arg13: memref<!tpu.dma_semaphore, #tpu.memory_space<semaphore_mem>>, %arg14: memref<!tpu.dma_semaphore, #tpu.memory_space<semaphore_mem>>) attributes {dimension_semantics = [#tpu.dimension_semantics<core_parallel>, #tpu.dimension_semantics<subcore_parallel>], iteration_bounds = array<i64: 2, 16>, scalar_prefetch = 0 : i64, scratch_operands = 9 : i64, tpu.core_type = #tpu.core_type<sc_vector_subcore>, window_params = [{transform_indices = #map}, {transform_indices = #map1}, {transform_indices = #map1}, {transform_indices = #map1}]} {
    %scan3A = arith.constant 0 : i32
    %scan3A_0 = arith.constant 0 : i32
    %scan3A_1 = arith.constant 128 : i32
    %scan3A_2 = arith.addi %scan3A_0, %scan3A_1 : i32
    %scan3A_3 = arith.constant 1 : i32
    scf.for %scan3A_38 = %scan3A_0 to %scan3A_2 step %scan3A_3  : i32 {
      %broadcast_in_dim3A = arith.constant 0.000000e+00 : f32
      %broadcast_in_dim3A_39 = vector.broadcast %broadcast_in_dim3A : f32 to vector<16xf32>
      %swap3A = arith.index_cast %scan3A_38 : i32 to index
      %swap3A_40 = arith.constant 0 : index
      %swap3A_41 = tpu.vector_load %arg8[%swap3A, %swap3A_40] {strides = array<i32>} : memref<128x128xf32, #tpu.memory_space<vmem>>, vector<1x16xf32>,
      %swap3A_42 = vector.shape_cast %swap3A_41 : vector<1x16xf32> to vector<16xf32>
      %swap3A_43 = vector.shape_cast %broadcast_in_dim3A_39 : vector<16xf32> to vector<1x16xf32>
      tpu.vector_store %arg8[%swap3A, %swap3A_40], %swap3A_43 {strides = array<i32>} : memref<128x128xf32, #tpu.memory_space<vmem>>, vector<1x16xf32>,
      %broadcast_in_dim3A_44 = arith.constant 0.000000e+00 : f32
      %broadcast_in_dim3A_45 = vector.broadcast %broadcast_in_dim3A_44 : f32 to vector<16xf32>
      %swap3A_46 = arith.index_cast %scan3A_38 : i32 to index
      %swap3A_47 = arith.constant 16 : index
      %swap3A_48 = tpu.vector_load %arg8[%swap3A_46, %swap3A_47] {strides = array<i32>} : memref<128x128xf32, #tpu.memory_space<vmem>>, vector<1x16xf32>,
      %swap3A_49 = vector.shape_cast %swap3A_48 : vector<1x16xf32> to vector<16xf32>
      %swap3A_50 = vector.shape_cast %broadcast_in_dim3A_45 : vector<16xf32> to vector<1x16xf32>
      tpu.vector_store %arg8[%swap3A_46, %swap3A_47], %swap3A_50 {strides = array<i32>} : memref<128x128xf32, #tpu.memory_space<vmem>>, vector<1x16xf32>,
      %broadcast_in_dim3A_51 = arith.constant 0.000000e+00 : f32
      %broadcast_in_dim3A_52 = vector.broadcast %broadcast_in_dim3A_51 : f32 to vector<16xf32>
      %swap3A_53 = arith.index_cast %scan3A_38 : i32 to index
      %swap3A_54 = arith.constant 32 : index
      %swap3A_55 = tpu.vector_load %arg8[%swap3A_53, %swap3A_54] {strides = array<i32>} : memref<128x128xf32, #tpu.memory_space<vmem>>, vector<1x16xf32>,
      %swap3A_56 = vector.shape_cast %swap3A_55 : vector<1x16xf32> to vector<16xf32>
      %swap3A_57 = vector.shape_cast %broadcast_in_dim3A_52 : vector<16xf32> to vector<1x16xf32>
      tpu.vector_store %arg8[%swap3A_53, %swap3A_54], %swap3A_57 {strides = array<i32>} : memref<128x128xf32, #tpu.memory_space<vmem>>, vector<1x16xf32>,
      %broadcast_in_dim3A_58 = arith.constant 0.000000e+00 : f32
      %broadcast_in_dim3A_59 = vector.broadcast %broadcast_in_dim3A_58 : f32 to vector<16xf32>
      %swap3A_60 = arith.index_cast %scan3A_38 : i32 to index
      %swap3A_61 = arith.constant 48 : index
      %swap3A_62 = tpu.vector_load %arg8[%swap3A_60, %swap3A_61] {strides = array<i32>} : memref<128x128xf32, #tpu.memory_space<vmem>>, vector<1x16xf32>,
      %swap3A_63 = vector.shape_cast %swap3A_62 : vector<1x16xf32> to vector<16xf32>
      %swap3A_64 = vector.shape_cast %broadcast_in_dim3A_59 : vector<16xf32> to vector<1x16xf32>
      tpu.vector_store %arg8[%swap3A_60, %swap3A_61], %swap3A_64 {strides = array<i32>} : memref<128x128xf32, #tpu.memory_space<vmem>>, vector<1x16xf32>,
      %broadcast_in_dim3A_65 = arith.constant 0.000000e+00 : f32
      %broadcast_in_dim3A_66 = vector.broadcast %broadcast_in_dim3A_65 : f32 to vector<16xf32>
      %swap3A_67 = arith.index_cast %scan3A_38 : i32 to index
      %swap3A_68 = arith.constant 64 : index
      %swap3A_69 = tpu.vector_load %arg8[%swap3A_67, %swap3A_68] {strides = array<i32>} : memref<128x128xf32, #tpu.memory_space<vmem>>, vector<1x16xf32>,
      %swap3A_70 = vector.shape_cast %swap3A_69 : vector<1x16xf32> to vector<16xf32>
      %swap3A_71 = vector.shape_cast %broadcast_in_dim3A_66 : vector<16xf32> to vector<1x16xf32>
      tpu.vector_store %arg8[%swap3A_67, %swap3A_68], %swap3A_71 {strides = array<i32>} : memref<128x128xf32, #tpu.memory_space<vmem>>, vector<1x16xf32>,
      %broadcast_in_dim3A_72 = arith.constant 0.000000e+00 : f32
      %broadcast_in_dim3A_73 = vector.broadcast %broadcast_in_dim3A_72 : f32 to vector<16xf32>
      %swap3A_74 = arith.index_cast %scan3A_38 : i32 to index
      %swap3A_75 = arith.constant 80 : index
      %swap3A_76 = tpu.vector_load %arg8[%swap3A_74, %swap3A_75] {strides = array<i32>} : memref<128x128xf32, #tpu.memory_space<vmem>>, vector<1x16xf32>,
      %swap3A_77 = vector.shape_cast %swap3A_76 : vector<1x16xf32> to vector<16xf32>
      %swap3A_78 = vector.shape_cast %broadcast_in_dim3A_73 : vector<16xf32> to vector<1x16xf32>
      tpu.vector_store %arg8[%swap3A_74, %swap3A_75], %swap3A_78 {strides = array<i32>} : memref<128x128xf32, #tpu.memory_space<vmem>>, vector<1x16xf32>,
      %broadcast_in_dim3A_79 = arith.constant 0.000000e+00 : f32
      %broadcast_in_dim3A_80 = vector.broadcast %broadcast_in_dim3A_79 : f32 to vector<16xf32>
      %swap3A_81 = arith.index_cast %scan3A_38 : i32 to index
      %swap3A_82 = arith.constant 96 : index
      %swap3A_83 = tpu.vector_load %arg8[%swap3A_81, %swap3A_82] {strides = array<i32>} : memref<128x128xf32, #tpu.memory_space<vmem>>, vector<1x16xf32>,
      %swap3A_84 = vector.shape_cast %swap3A_83 : vector<1x16xf32> to vector<16xf32>
      %swap3A_85 = vector.shape_cast %broadcast_in_dim3A_80 : vector<16xf32> to vector<1x16xf32>
      tpu.vector_store %arg8[%swap3A_81, %swap3A_82], %swap3A_85 {strides = array<i32>} : memref<128x128xf32, #tpu.memory_space<vmem>>, vector<1x16xf32>,
      %broadcast_in_dim3A_86 = arith.constant 0.000000e+00 : f32
      %broadcast_in_dim3A_87 = vector.broadcast %broadcast_in_dim3A_86 : f32 to vector<16xf32>
      %swap3A_88 = arith.index_cast %scan3A_38 : i32 to index
      %swap3A_89 = arith.constant 112 : index
      %swap3A_90 = tpu.vector_load %arg8[%swap3A_88, %swap3A_89] {strides = array<i32>} : memref<128x128xf32, #tpu.memory_space<vmem>>, vector<1x16xf32>,
      %swap3A_91 = vector.shape_cast %swap3A_90 : vector<1x16xf32> to vector<16xf32>
      %swap3A_92 = vector.shape_cast %broadcast_in_dim3A_87 : vector<16xf32> to vector<1x16xf32>
      tpu.vector_store %arg8[%swap3A_88, %swap3A_89], %swap3A_92 {strides = array<i32>} : memref<128x128xf32, #tpu.memory_space<vmem>>, vector<1x16xf32>,
    }
    %scan3A_4 = arith.constant 128 : i32
    %mul3A = arith.constant 632 : i32
    %mul3A_5 = arith.muli %arg1, %mul3A : i32
    %scan3A_6 = arith.constant 0 : i32
    %scan3A_7 = arith.constant 0 : i32
    %scan3A_8 = arith.constant 4 : i32
    %scan3A_9 = arith.addi %scan3A_7, %scan3A_8 : i32
    %scan3A_10 = arith.constant 1 : i32
    scf.for %scan3A_38 = %scan3A_7 to %scan3A_9 step %scan3A_10  : i32 {
      %mul3A_39 = arith.constant 128 : i32
      %mul3A_40 = arith.muli %scan3A_38, %mul3A_39 : i32
      %add3A_41 = arith.addi %mul3A_5, %mul3A_40 : i32
      "tpu.region"() ({
        %run_scoped3A = tpu.sem_alloc : memref<!tpu.dma_semaphore, #tpu.memory_space<semaphore_mem>>
        %dma_start3A = arith.constant 0 : i32
        %dma_start3A_42 = tpu.memref_slice %arg10[%add3A_41, %dma_start3A] : memref<10112x128xf32, #tpu.memory_space<vmem_shared>> -> memref<128x128xf32, #tpu.memory_space<vmem_shared>>
        %dma_start3A_43 = arith.constant 0 : i32
        %dma_start3A_44 = tpu.memref_slice %arg10[%add3A_41, %dma_start3A_43] : memref<10112x128xf32, #tpu.memory_space<vmem_shared>> -> memref<128x128xf32, #tpu.memory_space<vmem_shared>>
        tpu.enqueue_dma source(%arg8 : memref<128x128xf32, #tpu.memory_space<vmem>>) target(%dma_start3A_44 : memref<128x128xf32, #tpu.memory_space<vmem_shared>>) target_semaphore(%run_scoped3A : memref<!tpu.dma_semaphore, #tpu.memory_space<semaphore_mem>>)
        %dma_wait3A = arith.constant 0 : i32
        %dma_wait3A_45 = tpu.memref_slice %arg10[%add3A_41, %dma_wait3A] : memref<10112x128xf32, #tpu.memory_space<vmem_shared>> -> memref<128x128xf32, #tpu.memory_space<vmem_shared>>
        %dma_wait3A_46 = arith.constant 0 : i32
        %dma_wait3A_47 = tpu.memref_slice %arg10[%add3A_41, %dma_wait3A_46] : memref<10112x128xf32, #tpu.memory_space<vmem_shared>> -> memref<128x128xf32, #tpu.memory_space<vmem_shared>>
        tpu.wait_dma2 semaphore(%run_scoped3A : memref<!tpu.dma_semaphore, #tpu.memory_space<semaphore_mem>>) src(%arg8 : memref<128x128xf32, #tpu.memory_space<vmem>>) dst(%dma_wait3A_47 : memref<128x128xf32, #tpu.memory_space<vmem_shared>>)
        tpu.yield
      }) : () -> ()
    }
    %scan3A_11 = arith.constant 4 : i32
    %add3A = arith.constant 512 : i32
    %add3A_12 = arith.addi %mul3A_5, %add3A : i32
    "tpu.region"() ({
      %run_scoped3A = tpu.sem_alloc : memref<!tpu.dma_semaphore, #tpu.memory_space<semaphore_mem>>
      %dma_start3A = arith.constant 0 : i32
      %dma_start3A_38 = arith.constant 0 : i32
      %dma_start3A_39 = tpu.memref_slice %arg8[%dma_start3A, %dma_start3A_38] : memref<128x128xf32, #tpu.memory_space<vmem>> -> memref<120x128xf32, #tpu.memory_space<vmem>>
      %dma_start3A_40 = arith.constant 0 : i32
      %dma_start3A_41 = tpu.memref_slice %arg10[%add3A_12, %dma_start3A_40] : memref<10112x128xf32, #tpu.memory_space<vmem_shared>> -> memref<120x128xf32, #tpu.memory_space<vmem_shared>>
      %dma_start3A_42 = arith.constant 0 : i32
      %dma_start3A_43 = tpu.memref_slice %arg10[%add3A_12, %dma_start3A_42] : memref<10112x128xf32, #tpu.memory_space<vmem_shared>> -> memref<120x128xf32, #tpu.memory_space<vmem_shared>>
      %dma_start3A_44 = arith.constant 0 : i32
      %dma_start3A_45 = arith.constant 0 : i32
      %dma_start3A_46 = tpu.memref_slice %arg8[%dma_start3A_44, %dma_start3A_45] : memref<128x128xf32, #tpu.memory_space<vmem>> -> memref<120x128xf32, #tpu.memory_space<vmem>>
      tpu.enqueue_dma source(%dma_start3A_46 : memref<120x128xf32, #tpu.memory_space<vmem>>) target(%dma_start3A_43 : memref<120x128xf32, #tpu.memory_space<vmem_shared>>) target_semaphore(%run_scoped3A : memref<!tpu.dma_semaphore, #tpu.memory_space<semaphore_mem>>)
      %dma_wait3A = arith.constant 0 : i32
      %dma_wait3A_47 = arith.constant 0 : i32
      %dma_wait3A_48 = tpu.memref_slice %arg8[%dma_wait3A, %dma_wait3A_47] : memref<128x128xf32, #tpu.memory_space<vmem>> -> memref<120x128xf32, #tpu.memory_space<vmem>>
      %dma_wait3A_49 = arith.constant 0 : i32
      %dma_wait3A_50 = tpu.memref_slice %arg10[%add3A_12, %dma_wait3A_49] : memref<10112x128xf32, #tpu.memory_space<vmem_shared>> -> memref<120x128xf32, #tpu.memory_space<vmem_shared>>
      %dma_wait3A_51 = arith.constant 0 : i32
      %dma_wait3A_52 = tpu.memref_slice %arg10[%add3A_12, %dma_wait3A_51] : memref<10112x128xf32, #tpu.memory_space<vmem_shared>> -> memref<120x128xf32, #tpu.memory_space<vmem_shared>>
      %dma_wait3A_53 = arith.constant 0 : i32
      %dma_wait3A_54 = arith.constant 0 : i32
      %dma_wait3A_55 = tpu.memref_slice %arg8[%dma_wait3A_53, %dma_wait3A_54] : memref<128x128xf32, #tpu.memory_space<vmem>> -> memref<120x128xf32, #tpu.memory_space<vmem>>
      tpu.wait_dma2 semaphore(%run_scoped3A : memref<!tpu.dma_semaphore, #tpu.memory_space<semaphore_mem>>) src(%dma_wait3A_55 : memref<120x128xf32, #tpu.memory_space<vmem>>) dst(%dma_wait3A_52 : memref<120x128xf32, #tpu.memory_space<vmem_shared>>)
      tpu.yield
    }) : () -> ()
    %barrier3A = arith.constant 0 : index
    tpu.barrier barrier_id(%barrier3A)
    %eq3A = arith.constant 0 : i32
    %eq3A_13 = arith.cmpi eq, %arg0, %eq3A : i32
    %jit3A = arith.constant 9 : i32
    %jit3A_14 = arith.constant 1 : i32
    %select_n3A = arith.select %eq3A_13, %jit3A, %jit3A_14 : i32
    %eq3A_15 = arith.constant 0 : i32
    %eq3A_16 = arith.cmpi eq, %arg0, %eq3A_15 : i32
    %mul3A_17 = arith.constant 9 : i32
    %mul3A_18 = arith.muli %arg1, %mul3A_17 : i32
    %mul3A_19 = arith.constant 1 : i32
    %mul3A_20 = arith.muli %arg1, %mul3A_19 : i32
    %add3A_21 = arith.constant 144 : i32
    %add3A_22 = arith.addi %add3A_21, %mul3A_20 : i32
    %select_n3A_23 = arith.select %eq3A_16, %mul3A_18, %add3A_22 : i32
    %while3A = arith.constant 0 : i32
    %while3A_24 = arith.constant 0 : i32
    %while3A_25 = arith.subi %select_n3A, %while3A_24 : i32
    %while3A_26 = arith.addi %while3A_24, %while3A_25 : i32
    %while3A_27 = arith.constant 1 : i32
    %while3A_28 = arith.divsi %while3A_25, %while3A_27 : i32
    %while3A_29 = arith.muli %while3A_28, %while3A_27 : i32
    %while3A_30 = arith.addi %while3A_24, %while3A_29 : i32
    %while3A_31 = arith.constant 1 : i32
    scf.for %while3A_38 = %while3A_24 to %while3A_30 step %while3A_31  : i32 {
      %add3A_39 = arith.addi %select_n3A_23, %while3A_38 : i32
      "tpu.region"() ({
        %run_scoped3A = tpu.sem_alloc : memref<!tpu.dma_semaphore, #tpu.memory_space<semaphore_mem>>
        %dma_start3A_58 = arith.constant 0 : i32
        %dma_start3A_59 = arith.constant 0 : i32
        %dma_start3A_60 = tpu.memref_slice %arg3[%add3A_39, %dma_start3A_58, %dma_start3A_59] : memref<160x16x128xi32, #tpu.memory_space<hbm>> -> memref<1x16x128xi32, #tpu.memory_space<hbm>>
        %dma_start3A_61 = tpu.memref_squeeze %dma_start3A_60 : memref<1x16x128xi32, #tpu.memory_space<hbm>> -> memref<16x128xi32, #tpu.memory_space<hbm>>
        %dma_start3A_62 = arith.constant 0 : i32
        %dma_start3A_63 = arith.constant 0 : i32
        %dma_start3A_64 = tpu.memref_slice %arg3[%add3A_39, %dma_start3A_62, %dma_start3A_63] : memref<160x16x128xi32, #tpu.memory_space<hbm>> -> memref<1x16x128xi32, #tpu.memory_space<hbm>>
        %dma_start3A_65 = tpu.memref_squeeze %dma_start3A_64 : memref<1x16x128xi32, #tpu.memory_space<hbm>> -> memref<16x128xi32, #tpu.memory_space<hbm>>
        tpu.enqueue_dma source(%dma_start3A_65 : memref<16x128xi32, #tpu.memory_space<hbm>>) target(%arg6 : memref<16x128xi32, #tpu.memory_space<vmem>>) target_semaphore(%run_scoped3A : memref<!tpu.dma_semaphore, #tpu.memory_space<semaphore_mem>>)
        %dma_wait3A_66 = arith.constant 0 : i32
        %dma_wait3A_67 = arith.constant 0 : i32
        %dma_wait3A_68 = tpu.memref_slice %arg3[%add3A_39, %dma_wait3A_66, %dma_wait3A_67] : memref<160x16x128xi32, #tpu.memory_space<hbm>> -> memref<1x16x128xi32, #tpu.memory_space<hbm>>
        %dma_wait3A_69 = tpu.memref_squeeze %dma_wait3A_68 : memref<1x16x128xi32, #tpu.memory_space<hbm>> -> memref<16x128xi32, #tpu.memory_space<hbm>>
        %dma_wait3A_70 = arith.constant 0 : i32
        %dma_wait3A_71 = arith.constant 0 : i32
        %dma_wait3A_72 = tpu.memref_slice %arg3[%add3A_39, %dma_wait3A_70, %dma_wait3A_71] : memref<160x16x128xi32, #tpu.memory_space<hbm>> -> memref<1x16x128xi32, #tpu.memory_space<hbm>>
        %dma_wait3A_73 = tpu.memref_squeeze %dma_wait3A_72 : memref<1x16x128xi32, #tpu.memory_space<hbm>> -> memref<16x128xi32, #tpu.memory_space<hbm>>
        tpu.wait_dma2 semaphore(%run_scoped3A : memref<!tpu.dma_semaphore, #tpu.memory_space<semaphore_mem>>) src(%dma_wait3A_73 : memref<16x128xi32, #tpu.memory_space<hbm>>) dst(%arg6 : memref<16x128xi32, #tpu.memory_space<vmem>>)
        tpu.yield
      }) : () -> ()
      "tpu.region"() ({
        %run_scoped3A = tpu.sem_alloc : memref<!tpu.dma_semaphore, #tpu.memory_space<semaphore_mem>>
        %dma_start3A_58 = arith.constant 0 : i32
        %dma_start3A_59 = arith.constant 0 : i32
        %dma_start3A_60 = tpu.memref_slice %arg4[%add3A_39, %dma_start3A_58, %dma_start3A_59] : memref<160x16x128xi32, #tpu.memory_space<hbm>> -> memref<1x16x128xi32, #tpu.memory_space<hbm>>
        %dma_start3A_61 = tpu.memref_squeeze %dma_start3A_60 : memref<1x16x128xi32, #tpu.memory_space<hbm>> -> memref<16x128xi32, #tpu.memory_space<hbm>>
        %dma_start3A_62 = arith.constant 0 : i32
        %dma_start3A_63 = arith.constant 0 : i32
        %dma_start3A_64 = tpu.memref_slice %arg4[%add3A_39, %dma_start3A_62, %dma_start3A_63] : memref<160x16x128xi32, #tpu.memory_space<hbm>> -> memref<1x16x128xi32, #tpu.memory_space<hbm>>
        %dma_start3A_65 = tpu.memref_squeeze %dma_start3A_64 : memref<1x16x128xi32, #tpu.memory_space<hbm>> -> memref<16x128xi32, #tpu.memory_space<hbm>>
        tpu.enqueue_dma source(%dma_start3A_65 : memref<16x128xi32, #tpu.memory_space<hbm>>) target(%arg7 : memref<16x128xi32, #tpu.memory_space<vmem>>) target_semaphore(%run_scoped3A : memref<!tpu.dma_semaphore, #tpu.memory_space<semaphore_mem>>)
        %dma_wait3A_66 = arith.constant 0 : i32
        %dma_wait3A_67 = arith.constant 0 : i32
        %dma_wait3A_68 = tpu.memref_slice %arg4[%add3A_39, %dma_wait3A_66, %dma_wait3A_67] : memref<160x16x128xi32, #tpu.memory_space<hbm>> -> memref<1x16x128xi32, #tpu.memory_space<hbm>>
        %dma_wait3A_69 = tpu.memref_squeeze %dma_wait3A_68 : memref<1x16x128xi32, #tpu.memory_space<hbm>> -> memref<16x128xi32, #tpu.memory_space<hbm>>
        %dma_wait3A_70 = arith.constant 0 : i32
        %dma_wait3A_71 = arith.constant 0 : i32
        %dma_wait3A_72 = tpu.memref_slice %arg4[%add3A_39, %dma_wait3A_70, %dma_wait3A_71] : memref<160x16x128xi32, #tpu.memory_space<hbm>> -> memref<1x16x128xi32, #tpu.memory_space<hbm>>
        %dma_wait3A_73 = tpu.memref_squeeze %dma_wait3A_72 : memref<1x16x128xi32, #tpu.memory_space<hbm>> -> memref<16x128xi32, #tpu.memory_space<hbm>>
        tpu.wait_dma2 semaphore(%run_scoped3A : memref<!tpu.dma_semaphore, #tpu.memory_space<semaphore_mem>>) src(%dma_wait3A_73 : memref<16x128xi32, #tpu.memory_space<hbm>>) dst(%arg7 : memref<16x128xi32, #tpu.memory_space<vmem>>)
        tpu.yield
      }) : () -> ()
      %dma_start3A = arith.constant 0 : i32
      %dma_start3A_40 = arith.constant 0 : i32
      %dma_start3A_41 = tpu.memref_slice %arg6[%dma_start3A, %dma_start3A_40] : memref<16x128xi32, #tpu.memory_space<vmem>> -> memref<1x128xi32, #tpu.memory_space<vmem>>
      %dma_start3A_42 = tpu.memref_squeeze %dma_start3A_41 : memref<1x128xi32, #tpu.memory_space<vmem>> -> memref<128xi32, #tpu.memory_space<vmem>>
      %dma_start3A_43 = arith.constant 0 : i32
      %dma_start3A_44 = arith.constant 0 : i32
      %dma_start3A_45 = tpu.memref_slice %arg2[%dma_start3A_43, %dma_start3A_44] : memref<10000x128xf32, #tpu.memory_space<hbm>> -> memref<10000x128xf32, #tpu.memory_space<hbm>>
      tpu.enqueue_indirect_dma source(%dma_start3A_45 : memref<10000x128xf32, #tpu.memory_space<hbm>>) target(%arg8 : memref<128x128xf32, #tpu.memory_space<vmem>>) offsets(%dma_start3A_42 : memref<128xi32, #tpu.memory_space<vmem>>) semaphore(%arg11 : memref<!tpu.dma_semaphore, #tpu.memory_space<semaphore_mem>>)
      %scan3A_46 = arith.constant 0 : i32
      %scan3A_47 = arith.constant 0 : i32
      %scan3A_48 = arith.constant 8 : i32
      %scan3A_49 = arith.addi %scan3A_47, %scan3A_48 : i32
      %scan3A_50 = arith.constant 1 : i32
      scf.for %scan3A_58 = %scan3A_47 to %scan3A_49 step %scan3A_50  : i32 {
        %mul3A_59 = arith.constant 2 : i32
        %mul3A_60 = arith.muli %scan3A_58, %mul3A_59 : i32
        %add3A_61 = arith.constant 0 : i32
        %add3A_62 = arith.addi %mul3A_60, %add3A_61 : i32
        %dma_wait3A_63 = arith.constant 0 : i32
        %dma_wait3A_64 = tpu.memref_slice %arg6[%add3A_62, %dma_wait3A_63] : memref<16x128xi32, #tpu.memory_space<vmem>> -> memref<1x128xi32, #tpu.memory_space<vmem>>
        %dma_wait3A_65 = tpu.memref_squeeze %dma_wait3A_64 : memref<1x128xi32, #tpu.memory_space<vmem>> -> memref<128xi32, #tpu.memory_space<vmem>>
        %dma_wait3A_66 = arith.constant 0 : i32
        %dma_wait3A_67 = arith.constant 0 : i32
        %dma_wait3A_68 = tpu.memref_slice %arg2[%dma_wait3A_66, %dma_wait3A_67] : memref<10000x128xf32, #tpu.memory_space<hbm>> -> memref<10000x128xf32, #tpu.memory_space<hbm>>
        tpu.wait_indirect_dma semaphore(%arg11 : memref<!tpu.dma_semaphore, #tpu.memory_space<semaphore_mem>>) src(%dma_wait3A_68 : memref<10000x128xf32, #tpu.memory_space<hbm>>) dst(%arg8 : memref<128x128xf32, #tpu.memory_space<vmem>>)
        %ge3A = arith.constant 1 : i32
        %ge3A_69 = arith.cmpi sge, %add3A_62, %ge3A : i32
        %convert_element_type3A = arith.extui %ge3A_69 : i1 to i32
        %cond3A = arith.constant 0 : i32
        %cond3A_70 = arith.cmpi ne, %convert_element_type3A, %cond3A : i32
        scf.if %cond3A_70 {
          %sub3A = arith.constant 1 : i32
          %sub3A_107 = arith.subi %add3A_62, %sub3A : i32
          %dma_wait3A_108 = arith.constant 0 : i32
          %dma_wait3A_109 = tpu.memref_slice %arg7[%sub3A_107, %dma_wait3A_108] : memref<16x128xi32, #tpu.memory_space<vmem>> -> memref<1x128xi32, #tpu.memory_space<vmem>>
          %dma_wait3A_110 = tpu.memref_squeeze %dma_wait3A_109 : memref<1x128xi32, #tpu.memory_space<vmem>> -> memref<128xi32, #tpu.memory_space<vmem>>
          %dma_wait3A_111 = arith.constant 0 : i32
          %dma_wait3A_112 = arith.constant 0 : i32
          %dma_wait3A_113 = tpu.memref_slice %arg10[%dma_wait3A_111, %dma_wait3A_112] : memref<10112x128xf32, #tpu.memory_space<vmem_shared>> -> memref<10112x128xf32, #tpu.memory_space<vmem_shared>>
          tpu.wait_indirect_dma semaphore(%arg14 : memref<!tpu.dma_semaphore, #tpu.memory_space<semaphore_mem>>) src(%arg9 : memref<128x128xf32, #tpu.memory_space<vmem>>) dst(%dma_wait3A_113 : memref<10112x128xf32, #tpu.memory_space<vmem_shared>>)
        } else {
        }
        %dma_start3A_71 = arith.constant 0 : i32
        %dma_start3A_72 = tpu.memref_slice %arg7[%add3A_62, %dma_start3A_71] : memref<16x128xi32, #tpu.memory_space<vmem>> -> memref<1x128xi32, #tpu.memory_space<vmem>>
        %dma_start3A_73 = tpu.memref_squeeze %dma_start3A_72 : memref<1x128xi32, #tpu.memory_space<vmem>> -> memref<128xi32, #tpu.memory_space<vmem>>
        %dma_start3A_74 = arith.constant 0 : i32
        %dma_start3A_75 = arith.constant 0 : i32
        %dma_start3A_76 = tpu.memref_slice %arg10[%dma_start3A_74, %dma_start3A_75] : memref<10112x128xf32, #tpu.memory_space<vmem_shared>> -> memref<10112x128xf32, #tpu.memory_space<vmem_shared>>
        tpu.enqueue_indirect_dma source(%arg8 : memref<128x128xf32, #tpu.memory_space<vmem>>) target(%dma_start3A_76 : memref<10112x128xf32, #tpu.memory_space<vmem_shared>>) offsets(%dma_start3A_73 : memref<128xi32, #tpu.memory_space<vmem>>) semaphore(%arg13 : memref<!tpu.dma_semaphore, #tpu.memory_space<semaphore_mem>>) {add = true}
        %lt3A = arith.constant 15 : i32
        %lt3A_77 = arith.cmpi slt, %add3A_62, %lt3A : i32
        %convert_element_type3A_78 = arith.extui %lt3A_77 : i1 to i32
        %cond3A_79 = arith.constant 0 : i32
        %cond3A_80 = arith.cmpi ne, %convert_element_type3A_78, %cond3A_79 : i32
        scf.if %cond3A_80 {
          %add3A_107 = arith.constant 1 : i32
          %add3A_108 = arith.addi %add3A_62, %add3A_107 : i32
          %dma_start3A_109 = arith.constant 0 : i32
          %dma_start3A_110 = tpu.memref_slice %arg6[%add3A_108, %dma_start3A_109] : memref<16x128xi32, #tpu.memory_space<vmem>> -> memref<1x128xi32, #tpu.memory_space<vmem>>
          %dma_start3A_111 = tpu.memref_squeeze %dma_start3A_110 : memref<1x128xi32, #tpu.memory_space<vmem>> -> memref<128xi32, #tpu.memory_space<vmem>>
          %dma_start3A_112 = arith.constant 0 : i32
          %dma_start3A_113 = arith.constant 0 : i32
          %dma_start3A_114 = tpu.memref_slice %arg2[%dma_start3A_112, %dma_start3A_113] : memref<10000x128xf32, #tpu.memory_space<hbm>> -> memref<10000x128xf32, #tpu.memory_space<hbm>>
          tpu.enqueue_indirect_dma source(%dma_start3A_114 : memref<10000x128xf32, #tpu.memory_space<hbm>>) target(%arg9 : memref<128x128xf32, #tpu.memory_space<vmem>>) offsets(%dma_start3A_111 : memref<128xi32, #tpu.memory_space<vmem>>) semaphore(%arg12 : memref<!tpu.dma_semaphore, #tpu.memory_space<semaphore_mem>>)
        } else {
        }
        %mul3A_81 = arith.constant 2 : i32
        %mul3A_82 = arith.muli %scan3A_58, %mul3A_81 : i32
        %add3A_83 = arith.constant 1 : i32
        %add3A_84 = arith.addi %mul3A_82, %add3A_83 : i32
        %dma_wait3A_85 = arith.constant 0 : i32
        %dma_wait3A_86 = tpu.memref_slice %arg6[%add3A_84, %dma_wait3A_85] : memref<16x128xi32, #tpu.memory_space<vmem>> -> memref<1x128xi32, #tpu.memory_space<vmem>>
        %dma_wait3A_87 = tpu.memref_squeeze %dma_wait3A_86 : memref<1x128xi32, #tpu.memory_space<vmem>> -> memref<128xi32, #tpu.memory_space<vmem>>
        %dma_wait3A_88 = arith.constant 0 : i32
        %dma_wait3A_89 = arith.constant 0 : i32
        %dma_wait3A_90 = tpu.memref_slice %arg2[%dma_wait3A_88, %dma_wait3A_89] : memref<10000x128xf32, #tpu.memory_space<hbm>> -> memref<10000x128xf32, #tpu.memory_space<hbm>>
        tpu.wait_indirect_dma semaphore(%arg12 : memref<!tpu.dma_semaphore, #tpu.memory_space<semaphore_mem>>) src(%dma_wait3A_90 : memref<10000x128xf32, #tpu.memory_space<hbm>>) dst(%arg9 : memref<128x128xf32, #tpu.memory_space<vmem>>)
        %ge3A_91 = arith.constant 1 : i32
        %ge3A_92 = arith.cmpi sge, %add3A_84, %ge3A_91 : i32
        %convert_element_type3A_93 = arith.extui %ge3A_92 : i1 to i32
        %cond3A_94 = arith.constant 0 : i32
        %cond3A_95 = arith.cmpi ne, %convert_element_type3A_93, %cond3A_94 : i32
        scf.if %cond3A_95 {
          %sub3A = arith.constant 1 : i32
          %sub3A_107 = arith.subi %add3A_84, %sub3A : i32
          %dma_wait3A_108 = arith.constant 0 : i32
          %dma_wait3A_109 = tpu.memref_slice %arg7[%sub3A_107, %dma_wait3A_108] : memref<16x128xi32, #tpu.memory_space<vmem>> -> memref<1x128xi32, #tpu.memory_space<vmem>>
          %dma_wait3A_110 = tpu.memref_squeeze %dma_wait3A_109 : memref<1x128xi32, #tpu.memory_space<vmem>> -> memref<128xi32, #tpu.memory_space<vmem>>
          %dma_wait3A_111 = arith.constant 0 : i32
          %dma_wait3A_112 = arith.constant 0 : i32
          %dma_wait3A_113 = tpu.memref_slice %arg10[%dma_wait3A_111, %dma_wait3A_112] : memref<10112x128xf32, #tpu.memory_space<vmem_shared>> -> memref<10112x128xf32, #tpu.memory_space<vmem_shared>>
          tpu.wait_indirect_dma semaphore(%arg13 : memref<!tpu.dma_semaphore, #tpu.memory_space<semaphore_mem>>) src(%arg8 : memref<128x128xf32, #tpu.memory_space<vmem>>) dst(%dma_wait3A_113 : memref<10112x128xf32, #tpu.memory_space<vmem_shared>>)
        } else {
        }
        %dma_start3A_96 = arith.constant 0 : i32
        %dma_start3A_97 = tpu.memref_slice %arg7[%add3A_84, %dma_start3A_96] : memref<16x128xi32, #tpu.memory_space<vmem>> -> memref<1x128xi32, #tpu.memory_space<vmem>>
        %dma_start3A_98 = tpu.memref_squeeze %dma_start3A_97 : memref<1x128xi32, #tpu.memory_space<vmem>> -> memref<128xi32, #tpu.memory_space<vmem>>
        %dma_start3A_99 = arith.constant 0 : i32
        %dma_start3A_100 = arith.constant 0 : i32
        %dma_start3A_101 = tpu.memref_slice %arg10[%dma_start3A_99, %dma_start3A_100] : memref<10112x128xf32, #tpu.memory_space<vmem_shared>> -> memref<10112x128xf32, #tpu.memory_space<vmem_shared>>
        tpu.enqueue_indirect_dma source(%arg9 : memref<128x128xf32, #tpu.memory_space<vmem>>) target(%dma_start3A_101 : memref<10112x128xf32, #tpu.memory_space<vmem_shared>>) offsets(%dma_start3A_98 : memref<128xi32, #tpu.memory_space<vmem>>) semaphore(%arg14 : memref<!tpu.dma_semaphore, #tpu.memory_space<semaphore_mem>>) {add = true}
        %lt3A_102 = arith.constant 15 : i32
        %lt3A_103 = arith.cmpi slt, %add3A_84, %lt3A_102 : i32
        %convert_element_type3A_104 = arith.extui %lt3A_103 : i1 to i32
        %cond3A_105 = arith.constant 0 : i32
        %cond3A_106 = arith.cmpi ne, %convert_element_type3A_104, %cond3A_105 : i32
        scf.if %cond3A_106 {
          %add3A_107 = arith.constant 1 : i32
          %add3A_108 = arith.addi %add3A_84, %add3A_107 : i32
          %dma_start3A_109 = arith.constant 0 : i32
          %dma_start3A_110 = tpu.memref_slice %arg6[%add3A_108, %dma_start3A_109] : memref<16x128xi32, #tpu.memory_space<vmem>> -> memref<1x128xi32, #tpu.memory_space<vmem>>
          %dma_start3A_111 = tpu.memref_squeeze %dma_start3A_110 : memref<1x128xi32, #tpu.memory_space<vmem>> -> memref<128xi32, #tpu.memory_space<vmem>>
          %dma_start3A_112 = arith.constant 0 : i32
          %dma_start3A_113 = arith.constant 0 : i32
          %dma_start3A_114 = tpu.memref_slice %arg2[%dma_start3A_112, %dma_start3A_113] : memref<10000x128xf32, #tpu.memory_space<hbm>> -> memref<10000x128xf32, #tpu.memory_space<hbm>>
          tpu.enqueue_indirect_dma source(%dma_start3A_114 : memref<10000x128xf32, #tpu.memory_space<hbm>>) target(%arg8 : memref<128x128xf32, #tpu.memory_space<vmem>>) offsets(%dma_start3A_111 : memref<128xi32, #tpu.memory_space<vmem>>) semaphore(%arg11 : memref<!tpu.dma_semaphore, #tpu.memory_space<semaphore_mem>>)
        } else {
        }
      }
      %scan3A_51 = arith.constant 8 : i32
      %dma_wait3A = arith.constant 15 : i32
      %dma_wait3A_52 = arith.constant 0 : i32
      %dma_wait3A_53 = tpu.memref_slice %arg7[%dma_wait3A, %dma_wait3A_52] : memref<16x128xi32, #tpu.memory_space<vmem>> -> memref<1x128xi32, #tpu.memory_space<vmem>>
      %dma_wait3A_54 = tpu.memref_squeeze %dma_wait3A_53 : memref<1x128xi32, #tpu.memory_space<vmem>> -> memref<128xi32, #tpu.memory_space<vmem>>
      %dma_wait3A_55 = arith.constant 0 : i32
      %dma_wait3A_56 = arith.constant 0 : i32
      %dma_wait3A_57 = tpu.memref_slice %arg10[%dma_wait3A_55, %dma_wait3A_56] : memref<10112x128xf32, #tpu.memory_space<vmem_shared>> -> memref<10112x128xf32, #tpu.memory_space<vmem_shared>>
      tpu.wait_indirect_dma semaphore(%arg14 : memref<!tpu.dma_semaphore, #tpu.memory_space<semaphore_mem>>) src(%arg9 : memref<128x128xf32, #tpu.memory_space<vmem>>) dst(%dma_wait3A_57 : memref<10112x128xf32, #tpu.memory_space<vmem_shared>>)
    }
    %while3A_32 = arith.constant 1 : i32
    scf.for %while3A_38 = %while3A_30 to %while3A_26 step %while3A_32  : i32 {
      %add3A_39 = arith.addi %select_n3A_23, %while3A_38 : i32
      "tpu.region"() ({
        %run_scoped3A = tpu.sem_alloc : memref<!tpu.dma_semaphore, #tpu.memory_space<semaphore_mem>>
        %dma_start3A_58 = arith.constant 0 : i32
        %dma_start3A_59 = arith.constant 0 : i32
        %dma_start3A_60 = tpu.memref_slice %arg3[%add3A_39, %dma_start3A_58, %dma_start3A_59] : memref<160x16x128xi32, #tpu.memory_space<hbm>> -> memref<1x16x128xi32, #tpu.memory_space<hbm>>
        %dma_start3A_61 = tpu.memref_squeeze %dma_start3A_60 : memref<1x16x128xi32, #tpu.memory_space<hbm>> -> memref<16x128xi32, #tpu.memory_space<hbm>>
        %dma_start3A_62 = arith.constant 0 : i32
        %dma_start3A_63 = arith.constant 0 : i32
        %dma_start3A_64 = tpu.memref_slice %arg3[%add3A_39, %dma_start3A_62, %dma_start3A_63] : memref<160x16x128xi32, #tpu.memory_space<hbm>> -> memref<1x16x128xi32, #tpu.memory_space<hbm>>
        %dma_start3A_65 = tpu.memref_squeeze %dma_start3A_64 : memref<1x16x128xi32, #tpu.memory_space<hbm>> -> memref<16x128xi32, #tpu.memory_space<hbm>>
        tpu.enqueue_dma source(%dma_start3A_65 : memref<16x128xi32, #tpu.memory_space<hbm>>) target(%arg6 : memref<16x128xi32, #tpu.memory_space<vmem>>) target_semaphore(%run_scoped3A : memref<!tpu.dma_semaphore, #tpu.memory_space<semaphore_mem>>)
        %dma_wait3A_66 = arith.constant 0 : i32
        %dma_wait3A_67 = arith.constant 0 : i32
        %dma_wait3A_68 = tpu.memref_slice %arg3[%add3A_39, %dma_wait3A_66, %dma_wait3A_67] : memref<160x16x128xi32, #tpu.memory_space<hbm>> -> memref<1x16x128xi32, #tpu.memory_space<hbm>>
        %dma_wait3A_69 = tpu.memref_squeeze %dma_wait3A_68 : memref<1x16x128xi32, #tpu.memory_space<hbm>> -> memref<16x128xi32, #tpu.memory_space<hbm>>
        %dma_wait3A_70 = arith.constant 0 : i32
        %dma_wait3A_71 = arith.constant 0 : i32
        %dma_wait3A_72 = tpu.memref_slice %arg3[%add3A_39, %dma_wait3A_70, %dma_wait3A_71] : memref<160x16x128xi32, #tpu.memory_space<hbm>> -> memref<1x16x128xi32, #tpu.memory_space<hbm>>
        %dma_wait3A_73 = tpu.memref_squeeze %dma_wait3A_72 : memref<1x16x128xi32, #tpu.memory_space<hbm>> -> memref<16x128xi32, #tpu.memory_space<hbm>>
        tpu.wait_dma2 semaphore(%run_scoped3A : memref<!tpu.dma_semaphore, #tpu.memory_space<semaphore_mem>>) src(%dma_wait3A_73 : memref<16x128xi32, #tpu.memory_space<hbm>>) dst(%arg6 : memref<16x128xi32, #tpu.memory_space<vmem>>)
        tpu.yield
      }) : () -> ()
      "tpu.region"() ({
        %run_scoped3A = tpu.sem_alloc : memref<!tpu.dma_semaphore, #tpu.memory_space<semaphore_mem>>
        %dma_start3A_58 = arith.constant 0 : i32
        %dma_start3A_59 = arith.constant 0 : i32
        %dma_start3A_60 = tpu.memref_slice %arg4[%add3A_39, %dma_start3A_58, %dma_start3A_59] : memref<160x16x128xi32, #tpu.memory_space<hbm>> -> memref<1x16x128xi32, #tpu.memory_space<hbm>>
        %dma_start3A_61 = tpu.memref_squeeze %dma_start3A_60 : memref<1x16x128xi32, #tpu.memory_space<hbm>> -> memref<16x128xi32, #tpu.memory_space<hbm>>
        %dma_start3A_62 = arith.constant 0 : i32
        %dma_start3A_63 = arith.constant 0 : i32
        %dma_start3A_64 = tpu.memref_slice %arg4[%add3A_39, %dma_start3A_62, %dma_start3A_63] : memref<160x16x128xi32, #tpu.memory_space<hbm>> -> memref<1x16x128xi32, #tpu.memory_space<hbm>>
        %dma_start3A_65 = tpu.memref_squeeze %dma_start3A_64 : memref<1x16x128xi32, #tpu.memory_space<hbm>> -> memref<16x128xi32, #tpu.memory_space<hbm>>
        tpu.enqueue_dma source(%dma_start3A_65 : memref<16x128xi32, #tpu.memory_space<hbm>>) target(%arg7 : memref<16x128xi32, #tpu.memory_space<vmem>>) target_semaphore(%run_scoped3A : memref<!tpu.dma_semaphore, #tpu.memory_space<semaphore_mem>>)
        %dma_wait3A_66 = arith.constant 0 : i32
        %dma_wait3A_67 = arith.constant 0 : i32
        %dma_wait3A_68 = tpu.memref_slice %arg4[%add3A_39, %dma_wait3A_66, %dma_wait3A_67] : memref<160x16x128xi32, #tpu.memory_space<hbm>> -> memref<1x16x128xi32, #tpu.memory_space<hbm>>
        %dma_wait3A_69 = tpu.memref_squeeze %dma_wait3A_68 : memref<1x16x128xi32, #tpu.memory_space<hbm>> -> memref<16x128xi32, #tpu.memory_space<hbm>>
        %dma_wait3A_70 = arith.constant 0 : i32
        %dma_wait3A_71 = arith.constant 0 : i32
        %dma_wait3A_72 = tpu.memref_slice %arg4[%add3A_39, %dma_wait3A_70, %dma_wait3A_71] : memref<160x16x128xi32, #tpu.memory_space<hbm>> -> memref<1x16x128xi32, #tpu.memory_space<hbm>>
        %dma_wait3A_73 = tpu.memref_squeeze %dma_wait3A_72 : memref<1x16x128xi32, #tpu.memory_space<hbm>> -> memref<16x128xi32, #tpu.memory_space<hbm>>
        tpu.wait_dma2 semaphore(%run_scoped3A : memref<!tpu.dma_semaphore, #tpu.memory_space<semaphore_mem>>) src(%dma_wait3A_73 : memref<16x128xi32, #tpu.memory_space<hbm>>) dst(%arg7 : memref<16x128xi32, #tpu.memory_space<vmem>>)
        tpu.yield
      }) : () -> ()
      %dma_start3A = arith.constant 0 : i32
      %dma_start3A_40 = arith.constant 0 : i32
      %dma_start3A_41 = tpu.memref_slice %arg6[%dma_start3A, %dma_start3A_40] : memref<16x128xi32, #tpu.memory_space<vmem>> -> memref<1x128xi32, #tpu.memory_space<vmem>>
      %dma_start3A_42 = tpu.memref_squeeze %dma_start3A_41 : memref<1x128xi32, #tpu.memory_space<vmem>> -> memref<128xi32, #tpu.memory_space<vmem>>
      %dma_start3A_43 = arith.constant 0 : i32
      %dma_start3A_44 = arith.constant 0 : i32
      %dma_start3A_45 = tpu.memref_slice %arg2[%dma_start3A_43, %dma_start3A_44] : memref<10000x128xf32, #tpu.memory_space<hbm>> -> memref<10000x128xf32, #tpu.memory_space<hbm>>
      tpu.enqueue_indirect_dma source(%dma_start3A_45 : memref<10000x128xf32, #tpu.memory_space<hbm>>) target(%arg8 : memref<128x128xf32, #tpu.memory_space<vmem>>) offsets(%dma_start3A_42 : memref<128xi32, #tpu.memory_space<vmem>>) semaphore(%arg11 : memref<!tpu.dma_semaphore, #tpu.memory_space<semaphore_mem>>)
      %scan3A_46 = arith.constant 0 : i32
      %scan3A_47 = arith.constant 0 : i32
      %scan3A_48 = arith.constant 8 : i32
      %scan3A_49 = arith.addi %scan3A_47, %scan3A_48 : i32
      %scan3A_50 = arith.constant 1 : i32
      scf.for %scan3A_58 = %scan3A_47 to %scan3A_49 step %scan3A_50  : i32 {
        %mul3A_59 = arith.constant 2 : i32
        %mul3A_60 = arith.muli %scan3A_58, %mul3A_59 : i32
        %add3A_61 = arith.constant 0 : i32
        %add3A_62 = arith.addi %mul3A_60, %add3A_61 : i32
        %dma_wait3A_63 = arith.constant 0 : i32
        %dma_wait3A_64 = tpu.memref_slice %arg6[%add3A_62, %dma_wait3A_63] : memref<16x128xi32, #tpu.memory_space<vmem>> -> memref<1x128xi32, #tpu.memory_space<vmem>>
        %dma_wait3A_65 = tpu.memref_squeeze %dma_wait3A_64 : memref<1x128xi32, #tpu.memory_space<vmem>> -> memref<128xi32, #tpu.memory_space<vmem>>
        %dma_wait3A_66 = arith.constant 0 : i32
        %dma_wait3A_67 = arith.constant 0 : i32
        %dma_wait3A_68 = tpu.memref_slice %arg2[%dma_wait3A_66, %dma_wait3A_67] : memref<10000x128xf32, #tpu.memory_space<hbm>> -> memref<10000x128xf32, #tpu.memory_space<hbm>>
        tpu.wait_indirect_dma semaphore(%arg11 : memref<!tpu.dma_semaphore, #tpu.memory_space<semaphore_mem>>) src(%dma_wait3A_68 : memref<10000x128xf32, #tpu.memory_space<hbm>>) dst(%arg8 : memref<128x128xf32, #tpu.memory_space<vmem>>)
        %ge3A = arith.constant 1 : i32
        %ge3A_69 = arith.cmpi sge, %add3A_62, %ge3A : i32
        %convert_element_type3A = arith.extui %ge3A_69 : i1 to i32
        %cond3A = arith.constant 0 : i32
        %cond3A_70 = arith.cmpi ne, %convert_element_type3A, %cond3A : i32
        scf.if %cond3A_70 {
          %sub3A = arith.constant 1 : i32
          %sub3A_107 = arith.subi %add3A_62, %sub3A : i32
          %dma_wait3A_108 = arith.constant 0 : i32
          %dma_wait3A_109 = tpu.memref_slice %arg7[%sub3A_107, %dma_wait3A_108] : memref<16x128xi32, #tpu.memory_space<vmem>> -> memref<1x128xi32, #tpu.memory_space<vmem>>
          %dma_wait3A_110 = tpu.memref_squeeze %dma_wait3A_109 : memref<1x128xi32, #tpu.memory_space<vmem>> -> memref<128xi32, #tpu.memory_space<vmem>>
          %dma_wait3A_111 = arith.constant 0 : i32
          %dma_wait3A_112 = arith.constant 0 : i32
          %dma_wait3A_113 = tpu.memref_slice %arg10[%dma_wait3A_111, %dma_wait3A_112] : memref<10112x128xf32, #tpu.memory_space<vmem_shared>> -> memref<10112x128xf32, #tpu.memory_space<vmem_shared>>
          tpu.wait_indirect_dma semaphore(%arg14 : memref<!tpu.dma_semaphore, #tpu.memory_space<semaphore_mem>>) src(%arg9 : memref<128x128xf32, #tpu.memory_space<vmem>>) dst(%dma_wait3A_113 : memref<10112x128xf32, #tpu.memory_space<vmem_shared>>)
        } else {
        }
        %dma_start3A_71 = arith.constant 0 : i32
        %dma_start3A_72 = tpu.memref_slice %arg7[%add3A_62, %dma_start3A_71] : memref<16x128xi32, #tpu.memory_space<vmem>> -> memref<1x128xi32, #tpu.memory_space<vmem>>
        %dma_start3A_73 = tpu.memref_squeeze %dma_start3A_72 : memref<1x128xi32, #tpu.memory_space<vmem>> -> memref<128xi32, #tpu.memory_space<vmem>>
        %dma_start3A_74 = arith.constant 0 : i32
        %dma_start3A_75 = arith.constant 0 : i32
        %dma_start3A_76 = tpu.memref_slice %arg10[%dma_start3A_74, %dma_start3A_75] : memref<10112x128xf32, #tpu.memory_space<vmem_shared>> -> memref<10112x128xf32, #tpu.memory_space<vmem_shared>>
        tpu.enqueue_indirect_dma source(%arg8 : memref<128x128xf32, #tpu.memory_space<vmem>>) target(%dma_start3A_76 : memref<10112x128xf32, #tpu.memory_space<vmem_shared>>) offsets(%dma_start3A_73 : memref<128xi32, #tpu.memory_space<vmem>>) semaphore(%arg13 : memref<!tpu.dma_semaphore, #tpu.memory_space<semaphore_mem>>) {add = true}
        %lt3A = arith.constant 15 : i32
        %lt3A_77 = arith.cmpi slt, %add3A_62, %lt3A : i32
        %convert_element_type3A_78 = arith.extui %lt3A_77 : i1 to i32
        %cond3A_79 = arith.constant 0 : i32
        %cond3A_80 = arith.cmpi ne, %convert_element_type3A_78, %cond3A_79 : i32
        scf.if %cond3A_80 {
          %add3A_107 = arith.constant 1 : i32
          %add3A_108 = arith.addi %add3A_62, %add3A_107 : i32
          %dma_start3A_109 = arith.constant 0 : i32
          %dma_start3A_110 = tpu.memref_slice %arg6[%add3A_108, %dma_start3A_109] : memref<16x128xi32, #tpu.memory_space<vmem>> -> memref<1x128xi32, #tpu.memory_space<vmem>>
          %dma_start3A_111 = tpu.memref_squeeze %dma_start3A_110 : memref<1x128xi32, #tpu.memory_space<vmem>> -> memref<128xi32, #tpu.memory_space<vmem>>
          %dma_start3A_112 = arith.constant 0 : i32
          %dma_start3A_113 = arith.constant 0 : i32
          %dma_start3A_114 = tpu.memref_slice %arg2[%dma_start3A_112, %dma_start3A_113] : memref<10000x128xf32, #tpu.memory_space<hbm>> -> memref<10000x128xf32, #tpu.memory_space<hbm>>
          tpu.enqueue_indirect_dma source(%dma_start3A_114 : memref<10000x128xf32, #tpu.memory_space<hbm>>) target(%arg9 : memref<128x128xf32, #tpu.memory_space<vmem>>) offsets(%dma_start3A_111 : memref<128xi32, #tpu.memory_space<vmem>>) semaphore(%arg12 : memref<!tpu.dma_semaphore, #tpu.memory_space<semaphore_mem>>)
        } else {
        }
        %mul3A_81 = arith.constant 2 : i32
        %mul3A_82 = arith.muli %scan3A_58, %mul3A_81 : i32
        %add3A_83 = arith.constant 1 : i32
        %add3A_84 = arith.addi %mul3A_82, %add3A_83 : i32
        %dma_wait3A_85 = arith.constant 0 : i32
        %dma_wait3A_86 = tpu.memref_slice %arg6[%add3A_84, %dma_wait3A_85] : memref<16x128xi32, #tpu.memory_space<vmem>> -> memref<1x128xi32, #tpu.memory_space<vmem>>
        %dma_wait3A_87 = tpu.memref_squeeze %dma_wait3A_86 : memref<1x128xi32, #tpu.memory_space<vmem>> -> memref<128xi32, #tpu.memory_space<vmem>>
        %dma_wait3A_88 = arith.constant 0 : i32
        %dma_wait3A_89 = arith.constant 0 : i32
        %dma_wait3A_90 = tpu.memref_slice %arg2[%dma_wait3A_88, %dma_wait3A_89] : memref<10000x128xf32, #tpu.memory_space<hbm>> -> memref<10000x128xf32, #tpu.memory_space<hbm>>
        tpu.wait_indirect_dma semaphore(%arg12 : memref<!tpu.dma_semaphore, #tpu.memory_space<semaphore_mem>>) src(%dma_wait3A_90 : memref<10000x128xf32, #tpu.memory_space<hbm>>) dst(%arg9 : memref<128x128xf32, #tpu.memory_space<vmem>>)
        %ge3A_91 = arith.constant 1 : i32
        %ge3A_92 = arith.cmpi sge, %add3A_84, %ge3A_91 : i32
        %convert_element_type3A_93 = arith.extui %ge3A_92 : i1 to i32
        %cond3A_94 = arith.constant 0 : i32
        %cond3A_95 = arith.cmpi ne, %convert_element_type3A_93, %cond3A_94 : i32
        scf.if %cond3A_95 {
          %sub3A = arith.constant 1 : i32
          %sub3A_107 = arith.subi %add3A_84, %sub3A : i32
          %dma_wait3A_108 = arith.constant 0 : i32
          %dma_wait3A_109 = tpu.memref_slice %arg7[%sub3A_107, %dma_wait3A_108] : memref<16x128xi32, #tpu.memory_space<vmem>> -> memref<1x128xi32, #tpu.memory_space<vmem>>
          %dma_wait3A_110 = tpu.memref_squeeze %dma_wait3A_109 : memref<1x128xi32, #tpu.memory_space<vmem>> -> memref<128xi32, #tpu.memory_space<vmem>>
          %dma_wait3A_111 = arith.constant 0 : i32
          %dma_wait3A_112 = arith.constant 0 : i32
          %dma_wait3A_113 = tpu.memref_slice %arg10[%dma_wait3A_111, %dma_wait3A_112] : memref<10112x128xf32, #tpu.memory_space<vmem_shared>> -> memref<10112x128xf32, #tpu.memory_space<vmem_shared>>
          tpu.wait_indirect_dma semaphore(%arg13 : memref<!tpu.dma_semaphore, #tpu.memory_space<semaphore_mem>>) src(%arg8 : memref<128x128xf32, #tpu.memory_space<vmem>>) dst(%dma_wait3A_113 : memref<10112x128xf32, #tpu.memory_space<vmem_shared>>)
        } else {
        }
        %dma_start3A_96 = arith.constant 0 : i32
        %dma_start3A_97 = tpu.memref_slice %arg7[%add3A_84, %dma_start3A_96] : memref<16x128xi32, #tpu.memory_space<vmem>> -> memref<1x128xi32, #tpu.memory_space<vmem>>
        %dma_start3A_98 = tpu.memref_squeeze %dma_start3A_97 : memref<1x128xi32, #tpu.memory_space<vmem>> -> memref<128xi32, #tpu.memory_space<vmem>>
        %dma_start3A_99 = arith.constant 0 : i32
        %dma_start3A_100 = arith.constant 0 : i32
        %dma_start3A_101 = tpu.memref_slice %arg10[%dma_start3A_99, %dma_start3A_100] : memref<10112x128xf32, #tpu.memory_space<vmem_shared>> -> memref<10112x128xf32, #tpu.memory_space<vmem_shared>>
        tpu.enqueue_indirect_dma source(%arg9 : memref<128x128xf32, #tpu.memory_space<vmem>>) target(%dma_start3A_101 : memref<10112x128xf32, #tpu.memory_space<vmem_shared>>) offsets(%dma_start3A_98 : memref<128xi32, #tpu.memory_space<vmem>>) semaphore(%arg14 : memref<!tpu.dma_semaphore, #tpu.memory_space<semaphore_mem>>) {add = true}
        %lt3A_102 = arith.constant 15 : i32
        %lt3A_103 = arith.cmpi slt, %add3A_84, %lt3A_102 : i32
        %convert_element_type3A_104 = arith.extui %lt3A_103 : i1 to i32
        %cond3A_105 = arith.constant 0 : i32
        %cond3A_106 = arith.cmpi ne, %convert_element_type3A_104, %cond3A_105 : i32
        scf.if %cond3A_106 {
          %add3A_107 = arith.constant 1 : i32
          %add3A_108 = arith.addi %add3A_84, %add3A_107 : i32
          %dma_start3A_109 = arith.constant 0 : i32
          %dma_start3A_110 = tpu.memref_slice %arg6[%add3A_108, %dma_start3A_109] : memref<16x128xi32, #tpu.memory_space<vmem>> -> memref<1x128xi32, #tpu.memory_space<vmem>>
          %dma_start3A_111 = tpu.memref_squeeze %dma_start3A_110 : memref<1x128xi32, #tpu.memory_space<vmem>> -> memref<128xi32, #tpu.memory_space<vmem>>
          %dma_start3A_112 = arith.constant 0 : i32
          %dma_start3A_113 = arith.constant 0 : i32
          %dma_start3A_114 = tpu.memref_slice %arg2[%dma_start3A_112, %dma_start3A_113] : memref<10000x128xf32, #tpu.memory_space<hbm>> -> memref<10000x128xf32, #tpu.memory_space<hbm>>
          tpu.enqueue_indirect_dma source(%dma_start3A_114 : memref<10000x128xf32, #tpu.memory_space<hbm>>) target(%arg8 : memref<128x128xf32, #tpu.memory_space<vmem>>) offsets(%dma_start3A_111 : memref<128xi32, #tpu.memory_space<vmem>>) semaphore(%arg11 : memref<!tpu.dma_semaphore, #tpu.memory_space<semaphore_mem>>)
        } else {
        }
      }
      %scan3A_51 = arith.constant 8 : i32
      %dma_wait3A = arith.constant 15 : i32
      %dma_wait3A_52 = arith.constant 0 : i32
      %dma_wait3A_53 = tpu.memref_slice %arg7[%dma_wait3A, %dma_wait3A_52] : memref<16x128xi32, #tpu.memory_space<vmem>> -> memref<1x128xi32, #tpu.memory_space<vmem>>
      %dma_wait3A_54 = tpu.memref_squeeze %dma_wait3A_53 : memref<1x128xi32, #tpu.memory_space<vmem>> -> memref<128xi32, #tpu.memory_space<vmem>>
      %dma_wait3A_55 = arith.constant 0 : i32
      %dma_wait3A_56 = arith.constant 0 : i32
      %dma_wait3A_57 = tpu.memref_slice %arg10[%dma_wait3A_55, %dma_wait3A_56] : memref<10112x128xf32, #tpu.memory_space<vmem_shared>> -> memref<10112x128xf32, #tpu.memory_space<vmem_shared>>
      tpu.wait_indirect_dma semaphore(%arg14 : memref<!tpu.dma_semaphore, #tpu.memory_space<semaphore_mem>>) src(%arg9 : memref<128x128xf32, #tpu.memory_space<vmem>>) dst(%dma_wait3A_57 : memref<10112x128xf32, #tpu.memory_space<vmem_shared>>)
    }
    %barrier3A_33 = arith.constant 0 : index
    tpu.barrier barrier_id(%barrier3A_33)
    %mul3A_34 = arith.constant 632 : i32
    %mul3A_35 = arith.muli %arg1, %mul3A_34 : i32
    %mul3A_36 = arith.constant 632 : i32
    %mul3A_37 = arith.muli %arg1, %mul3A_36 : i32
    "tpu.region"() ({
      %run_scoped3A = tpu.sem_alloc : memref<!tpu.dma_semaphore, #tpu.memory_space<semaphore_mem>>
      %dma_start3A = arith.constant 0 : i32
      %dma_start3A_38 = tpu.memref_slice %arg5[%arg0, %mul3A_37, %dma_start3A] : memref<2x10112x128xf32, #tpu.memory_space<hbm>> -> memref<1x632x128xf32, #tpu.memory_space<hbm>>
      %dma_start3A_39 = tpu.memref_squeeze %dma_start3A_38 : memref<1x632x128xf32, #tpu.memory_space<hbm>> -> memref<632x128xf32, #tpu.memory_space<hbm>>
      %dma_start3A_40 = arith.constant 0 : i32
      %dma_start3A_41 = tpu.memref_slice %arg10[%mul3A_35, %dma_start3A_40] : memref<10112x128xf32, #tpu.memory_space<vmem_shared>> -> memref<632x128xf32, #tpu.memory_space<vmem_shared>>
      tpu.enqueue_dma source(%dma_start3A_41 : memref<632x128xf32, #tpu.memory_space<vmem_shared>>) target(%dma_start3A_39 : memref<632x128xf32, #tpu.memory_space<hbm>>) target_semaphore(%run_scoped3A : memref<!tpu.dma_semaphore, #tpu.memory_space<semaphore_mem>>)
      %dma_wait3A = arith.constant 0 : i32
      %dma_wait3A_42 = tpu.memref_slice %arg5[%arg0, %mul3A_37, %dma_wait3A] : memref<2x10112x128xf32, #tpu.memory_space<hbm>> -> memref<1x632x128xf32, #tpu.memory_space<hbm>>
      %dma_wait3A_43 = tpu.memref_squeeze %dma_wait3A_42 : memref<1x632x128xf32, #tpu.memory_space<hbm>> -> memref<632x128xf32, #tpu.memory_space<hbm>>
      %dma_wait3A_44 = arith.constant 0 : i32
      %dma_wait3A_45 = tpu.memref_slice %arg10[%mul3A_35, %dma_wait3A_44] : memref<10112x128xf32, #tpu.memory_space<vmem_shared>> -> memref<632x128xf32, #tpu.memory_space<vmem_shared>>
      tpu.wait_dma2 semaphore(%run_scoped3A : memref<!tpu.dma_semaphore, #tpu.memory_space<semaphore_mem>>) src(%dma_wait3A_45 : memref<632x128xf32, #tpu.memory_space<vmem_shared>>) dst(%dma_wait3A_43 : memref<632x128xf32, #tpu.memory_space<hbm>>)
      tpu.yield
    }) : () -> ()
    return
  }
}

module attributes {stable_mosaic.version = 14 : i64} {
  func.func @_mlp_body(%arg0: i32, %arg1: memref<1000x128xf32, #tpu.memory_space<vmem>>, %arg2: memref<1x1000x128xf32, #tpu.memory_space<vmem>>, %arg3: memref<1x1000x128xf32, #tpu.memory_space<vmem>>, %arg4: memref<128x128xf32, #tpu.memory_space<vmem>>, %arg5: memref<1x128xf32, #tpu.memory_space<vmem>>, %arg6: memref<128x128xf32, #tpu.memory_space<vmem>>, %arg7: memref<1x128xf32, #tpu.memory_space<vmem>>, %arg8: memref<1000x128xf32, #tpu.memory_space<vmem>>) attributes {dimension_semantics = [#tpu.dimension_semantics<arbitrary>], iteration_bounds = array<i64: 10>, scalar_prefetch = 0 : i64, scratch_operands = 0 : i64, tpu.core_type = #tpu.core_type<tc>, window_params = [{transform_indices = @transform_0, window_bounds = array<i64: 1000, 128>}, {transform_indices = @transform_1, window_bounds = array<i64: 1, 1000, 128>}, {transform_indices = @transform_2, window_bounds = array<i64: 1, 1000, 128>}, {pipeline_mode = #tpu.pipeline_mode<synchronous>, transform_indices = @transform_3, window_bounds = array<i64: 128, 128>}, {pipeline_mode = #tpu.pipeline_mode<synchronous>, transform_indices = @transform_4, window_bounds = array<i64: 1, 128>}, {pipeline_mode = #tpu.pipeline_mode<synchronous>, transform_indices = @transform_5, window_bounds = array<i64: 128, 128>}, {pipeline_mode = #tpu.pipeline_mode<synchronous>, transform_indices = @transform_6, window_bounds = array<i64: 1, 128>}, {transform_indices = @transform_7, window_bounds = array<i64: 1000, 128>}]} {
    %get3A = arith.constant 0 : index
    %get3A_0 = arith.constant 0 : index
    %get3A_1 = vector.load %arg1[%get3A, %get3A_0] : memref<1000x128xf32, #tpu.memory_space<vmem>>, vector<1000x128xf32>
    %get3A_2 = arith.constant 0 : index
    %get3A_3 = arith.constant 0 : index
    %get3A_4 = arith.constant 0 : index
    %get3A_5 = vector.load %arg2[%get3A_2, %get3A_3, %get3A_4] : memref<1x1000x128xf32, #tpu.memory_space<vmem>>, vector<1x1000x128xf32>
    %get3A_6 = vector.shape_cast %get3A_5 : vector<1x1000x128xf32> to vector<1000x128xf32>
    %add3A = arith.addf %get3A_1, %get3A_6 : vector<1000x128xf32>
    %get3A_7 = arith.constant 0 : index
    %get3A_8 = arith.constant 0 : index
    %get3A_9 = arith.constant 0 : index
    %get3A_10 = vector.load %arg3[%get3A_7, %get3A_8, %get3A_9] : memref<1x1000x128xf32, #tpu.memory_space<vmem>>, vector<1x1000x128xf32>
    %get3A_11 = vector.shape_cast %get3A_10 : vector<1x1000x128xf32> to vector<1000x128xf32>
    %add3A_12 = arith.addf %add3A, %get3A_11 : vector<1000x128xf32>
    %get3A_13 = arith.constant 0 : index
    %get3A_14 = arith.constant 0 : index
    %get3A_15 = vector.load %arg4[%get3A_13, %get3A_14] : memref<128x128xf32, #tpu.memory_space<vmem>>, vector<128x128xf32>
    %dot_general3A = arith.constant dense<0.000000e+00> : vector<1000x128xf32>
    %dot_general3A_16 = tpu.matmul %add3A_12, %get3A_15, %dot_general3A {dimension_numbers = #tpu.dot_dimension_numbers<[1], [0], [0], [1], [0, 0, 1, 1], [], []>, transpose_lhs_hint = false} : vector<1000x128xf32>, vector<128x128xf32>, vector<1000x128xf32> -> vector<1000x128xf32>
    %get3A_17 = arith.constant 0 : index
    %get3A_18 = arith.constant 0 : index
    %get3A_19 = vector.load %arg5[%get3A_17, %get3A_18] : memref<1x128xf32, #tpu.memory_space<vmem>>, vector<1x128xf32>
    %add3A_20 = vector.broadcast %get3A_19 : vector<1x128xf32> to vector<1000x128xf32>
    %add3A_21 = arith.addf %dot_general3A_16, %add3A_20 : vector<1000x128xf32>
    %max3A = arith.constant 0.000000e+00 : f32
    %max3A_22 = vector.broadcast %max3A : f32 to vector<1000x128xf32>
    %max3A_23 = arith.maximumf %add3A_21, %max3A_22 : vector<1000x128xf32>
    %get3A_24 = arith.constant 0 : index
    %get3A_25 = arith.constant 0 : index
    %get3A_26 = vector.load %arg6[%get3A_24, %get3A_25] : memref<128x128xf32, #tpu.memory_space<vmem>>, vector<128x128xf32>
    %dot_general3A_27 = arith.constant dense<0.000000e+00> : vector<1000x128xf32>
    %dot_general3A_28 = tpu.matmul %max3A_23, %get3A_26, %dot_general3A_27 {dimension_numbers = #tpu.dot_dimension_numbers<[1], [0], [0], [1], [0, 0, 1, 1], [], []>, transpose_lhs_hint = false} : vector<1000x128xf32>, vector<128x128xf32>, vector<1000x128xf32> -> vector<1000x128xf32>
    %get3A_29 = arith.constant 0 : index
    %get3A_30 = arith.constant 0 : index
    %get3A_31 = vector.load %arg7[%get3A_29, %get3A_30] : memref<1x128xf32, #tpu.memory_space<vmem>>, vector<1x128xf32>
    %add3A_32 = vector.broadcast %get3A_31 : vector<1x128xf32> to vector<1000x128xf32>
    %add3A_33 = arith.addf %dot_general3A_28, %add3A_32 : vector<1000x128xf32>
    %max3A_34 = arith.constant 0.000000e+00 : f32
    %max3A_35 = vector.broadcast %max3A_34 : f32 to vector<1000x128xf32>
    %max3A_36 = arith.maximumf %add3A_33, %max3A_35 : vector<1000x128xf32>
    %swap3A = arith.constant 0 : index
    %swap3A_37 = arith.constant 0 : index
    %swap3A_38 = vector.load %arg8[%swap3A, %swap3A_37] : memref<1000x128xf32, #tpu.memory_space<vmem>>, vector<1000x128xf32>
    tpu.vector_store %arg8[%swap3A, %swap3A_37], %max3A_36 {strides = array<i32>} : memref<1000x128xf32, #tpu.memory_space<vmem>>, vector<1000x128xf32>,
    return
  }
  func.func @transform_0(%arg0: i32) -> (i32, i32) {
    %c0_i32 = arith.constant 0 : i32
    %c0_i32_0 = arith.constant 0 : i32
    return %arg0, %c0_i32 : i32, i32
  }
  func.func @transform_1(%arg0: i32) -> (i32, i32, i32) {
    %c0_i32 = arith.constant 0 : i32
    %c0_i32_0 = arith.constant 0 : i32
    %c0_i32_1 = arith.constant 0 : i32
    return %c0_i32, %arg0, %c0_i32_0 : i32, i32, i32
  }
  func.func @transform_2(%arg0: i32) -> (i32, i32, i32) {
    %c1_i32 = arith.constant 1 : i32
    %c0_i32 = arith.constant 0 : i32
    %c0_i32_0 = arith.constant 0 : i32
    return %c1_i32, %arg0, %c0_i32 : i32, i32, i32
  }
  func.func @transform_3(%arg0: i32) -> (i32, i32) {
    %c0_i32 = arith.constant 0 : i32
    %c0_i32_0 = arith.constant 0 : i32
    %c0_i32_1 = arith.constant 0 : i32
    return %c0_i32, %c0_i32_0 : i32, i32
  }
  func.func @transform_4(%arg0: i32) -> (i32, i32) {
    %c0_i32 = arith.constant 0 : i32
    %c0_i32_0 = arith.constant 0 : i32
    %c0_i32_1 = arith.constant 0 : i32
    return %c0_i32, %c0_i32_0 : i32, i32
  }
  func.func @transform_5(%arg0: i32) -> (i32, i32) {
    %c0_i32 = arith.constant 0 : i32
    %c0_i32_0 = arith.constant 0 : i32
    %c0_i32_1 = arith.constant 0 : i32
    return %c0_i32, %c0_i32_0 : i32, i32
  }
  func.func @transform_6(%arg0: i32) -> (i32, i32) {
    %c0_i32 = arith.constant 0 : i32
    %c0_i32_0 = arith.constant 0 : i32
    %c0_i32_1 = arith.constant 0 : i32
    return %c0_i32, %c0_i32_0 : i32, i32
  }
  func.func @transform_7(%arg0: i32) -> (i32, i32) {
    %c0_i32 = arith.constant 0 : i32
    %c0_i32_0 = arith.constant 0 : i32
    return %arg0, %c0_i32 : i32, i32
  }
}

module attributes {stable_mosaic.version = 14 : i64} {
  func.func @_mlp_body(%arg0: i32, %arg1: memref<1000x128xf32, #tpu.memory_space<vmem>>, %arg2: memref<1x1000x128xf32, #tpu.memory_space<vmem>>, %arg3: memref<1x1000x128xf32, #tpu.memory_space<vmem>>, %arg4: memref<128x128xf32, #tpu.memory_space<vmem>>, %arg5: memref<1x128xf32, #tpu.memory_space<vmem>>, %arg6: memref<128x128xf32, #tpu.memory_space<vmem>>, %arg7: memref<1x128xf32, #tpu.memory_space<vmem>>, %arg8: memref<1000x128xf32, #tpu.memory_space<vmem>>) attributes {dimension_semantics = [#tpu.dimension_semantics<arbitrary>], iteration_bounds = array<i64: 10>, scalar_prefetch = 0 : i64, scratch_operands = 0 : i64, tpu.core_type = #tpu.core_type<tc>, window_params = [{transform_indices = @transform_0, window_bounds = array<i64: 1000, 128>}, {transform_indices = @transform_1, window_bounds = array<i64: 1, 1000, 128>}, {transform_indices = @transform_2, window_bounds = array<i64: 1, 1000, 128>}, {pipeline_mode = #tpu.pipeline_mode<synchronous>, transform_indices = @transform_3, window_bounds = array<i64: 128, 128>}, {pipeline_mode = #tpu.pipeline_mode<synchronous>, transform_indices = @transform_4, window_bounds = array<i64: 1, 128>}, {pipeline_mode = #tpu.pipeline_mode<synchronous>, transform_indices = @transform_5, window_bounds = array<i64: 128, 128>}, {pipeline_mode = #tpu.pipeline_mode<synchronous>, transform_indices = @transform_6, window_bounds = array<i64: 1, 128>}, {transform_indices = @transform_7, window_bounds = array<i64: 1000, 128>}]} {
    %get3A = arith.constant 0 : index
    %get3A_0 = arith.constant 0 : index
    %get3A_1 = vector.load %arg1[%get3A, %get3A_0] : memref<1000x128xf32, #tpu.memory_space<vmem>>, vector<1000x128xf32>
    %get3A_2 = arith.constant 0 : index
    %get3A_3 = arith.constant 0 : index
    %get3A_4 = arith.constant 0 : index
    %get3A_5 = vector.load %arg2[%get3A_2, %get3A_3, %get3A_4] : memref<1x1000x128xf32, #tpu.memory_space<vmem>>, vector<1x1000x128xf32>
    %get3A_6 = vector.shape_cast %get3A_5 : vector<1x1000x128xf32> to vector<1000x128xf32>
    %add3A = arith.addf %get3A_1, %get3A_6 : vector<1000x128xf32>
    %get3A_7 = arith.constant 0 : index
    %get3A_8 = arith.constant 0 : index
    %get3A_9 = arith.constant 0 : index
    %get3A_10 = vector.load %arg3[%get3A_7, %get3A_8, %get3A_9] : memref<1x1000x128xf32, #tpu.memory_space<vmem>>, vector<1x1000x128xf32>
    %get3A_11 = vector.shape_cast %get3A_10 : vector<1x1000x128xf32> to vector<1000x128xf32>
    %add3A_12 = arith.addf %add3A, %get3A_11 : vector<1000x128xf32>
    %get3A_13 = arith.constant 0 : index
    %get3A_14 = arith.constant 0 : index
    %get3A_15 = vector.load %arg4[%get3A_13, %get3A_14] : memref<128x128xf32, #tpu.memory_space<vmem>>, vector<128x128xf32>
    %dot_general3A = arith.constant dense<0.000000e+00> : vector<1000x128xf32>
    %dot_general3A_16 = tpu.matmul %add3A_12, %get3A_15, %dot_general3A {dimension_numbers = #tpu.dot_dimension_numbers<[1], [0], [0], [1], [0, 0, 1, 1], [], []>, transpose_lhs_hint = false} : vector<1000x128xf32>, vector<128x128xf32>, vector<1000x128xf32> -> vector<1000x128xf32>
    %get3A_17 = arith.constant 0 : index
    %get3A_18 = arith.constant 0 : index
    %get3A_19 = vector.load %arg5[%get3A_17, %get3A_18] : memref<1x128xf32, #tpu.memory_space<vmem>>, vector<1x128xf32>
    %add3A_20 = vector.broadcast %get3A_19 : vector<1x128xf32> to vector<1000x128xf32>
    %add3A_21 = arith.addf %dot_general3A_16, %add3A_20 : vector<1000x128xf32>
    %max3A = arith.constant 0.000000e+00 : f32
    %max3A_22 = vector.broadcast %max3A : f32 to vector<1000x128xf32>
    %max3A_23 = arith.maximumf %add3A_21, %max3A_22 : vector<1000x128xf32>
    %get3A_24 = arith.constant 0 : index
    %get3A_25 = arith.constant 0 : index
    %get3A_26 = vector.load %arg6[%get3A_24, %get3A_25] : memref<128x128xf32, #tpu.memory_space<vmem>>, vector<128x128xf32>
    %dot_general3A_27 = arith.constant dense<0.000000e+00> : vector<1000x128xf32>
    %dot_general3A_28 = tpu.matmul %max3A_23, %get3A_26, %dot_general3A_27 {dimension_numbers = #tpu.dot_dimension_numbers<[1], [0], [0], [1], [0, 0, 1, 1], [], []>, transpose_lhs_hint = false} : vector<1000x128xf32>, vector<128x128xf32>, vector<1000x128xf32> -> vector<1000x128xf32>
    %get3A_29 = arith.constant 0 : index
    %get3A_30 = arith.constant 0 : index
    %get3A_31 = vector.load %arg7[%get3A_29, %get3A_30] : memref<1x128xf32, #tpu.memory_space<vmem>>, vector<1x128xf32>
    %add3A_32 = vector.broadcast %get3A_31 : vector<1x128xf32> to vector<1000x128xf32>
    %add3A_33 = arith.addf %dot_general3A_28, %add3A_32 : vector<1000x128xf32>
    %max3A_34 = arith.constant 0.000000e+00 : f32
    %max3A_35 = vector.broadcast %max3A_34 : f32 to vector<1000x128xf32>
    %max3A_36 = arith.maximumf %add3A_33, %max3A_35 : vector<1000x128xf32>
    %swap3A = arith.constant 0 : index
    %swap3A_37 = arith.constant 0 : index
    %swap3A_38 = vector.load %arg8[%swap3A, %swap3A_37] : memref<1000x128xf32, #tpu.memory_space<vmem>>, vector<1000x128xf32>
    tpu.vector_store %arg8[%swap3A, %swap3A_37], %max3A_36 {strides = array<i32>} : memref<1000x128xf32, #tpu.memory_space<vmem>>, vector<1000x128xf32>,
    return
  }
  func.func @transform_0(%arg0: i32) -> (i32, i32) {
    %c0_i32 = arith.constant 0 : i32
    %c0_i32_0 = arith.constant 0 : i32
    return %arg0, %c0_i32 : i32, i32
  }
  func.func @transform_1(%arg0: i32) -> (i32, i32, i32) {
    %c0_i32 = arith.constant 0 : i32
    %c0_i32_0 = arith.constant 0 : i32
    %c0_i32_1 = arith.constant 0 : i32
    return %c0_i32, %arg0, %c0_i32_0 : i32, i32, i32
  }
  func.func @transform_2(%arg0: i32) -> (i32, i32, i32) {
    %c1_i32 = arith.constant 1 : i32
    %c0_i32 = arith.constant 0 : i32
    %c0_i32_0 = arith.constant 0 : i32
    return %c1_i32, %arg0, %c0_i32 : i32, i32, i32
  }
  func.func @transform_3(%arg0: i32) -> (i32, i32) {
    %c0_i32 = arith.constant 0 : i32
    %c0_i32_0 = arith.constant 0 : i32
    %c0_i32_1 = arith.constant 0 : i32
    return %c0_i32, %c0_i32_0 : i32, i32
  }
  func.func @transform_4(%arg0: i32) -> (i32, i32) {
    %c0_i32 = arith.constant 0 : i32
    %c0_i32_0 = arith.constant 0 : i32
    %c0_i32_1 = arith.constant 0 : i32
    return %c0_i32, %c0_i32_0 : i32, i32
  }
  func.func @transform_5(%arg0: i32) -> (i32, i32) {
    %c0_i32 = arith.constant 0 : i32
    %c0_i32_0 = arith.constant 0 : i32
    %c0_i32_1 = arith.constant 0 : i32
    return %c0_i32, %c0_i32_0 : i32, i32
  }
  func.func @transform_6(%arg0: i32) -> (i32, i32) {
    %c0_i32 = arith.constant 0 : i32
    %c0_i32_0 = arith.constant 0 : i32
    %c0_i32_1 = arith.constant 0 : i32
    return %c0_i32, %c0_i32_0 : i32, i32
  }
  func.func @transform_7(%arg0: i32) -> (i32, i32) {
    %c0_i32 = arith.constant 0 : i32
    %c0_i32_0 = arith.constant 0 : i32
    return %arg0, %c0_i32 : i32, i32
  }
}

</mosaic_0001>

<sc_bundles>
// kernel: kernel.6.cloned.1.call-start
scs
__scs_entry_jumppad:
0x0: {  	(pc) =	sbr.rel $0x88, $3  }
0x1: {  	(tag) =	ssettag $0x0;
	lr =	simm.s32 $0x1  }
0x2: {  	[smem:$0x3F97] =	sst lr;
	_ =	strace $0xD0000000  }
0x3: {  	_ = 	snop  }
0x4: {  	_ = 	snop  }
0x5: {  	_ = 	snop  }
0x6: {  	_ = 	snop  }
0x7: {  	_ = 	snop  }
__scs_overlays_trampoline_lowered:
0x8: {  	[smem:$0x3FA6] =	sst s0  }
0x9: {  	[smem:$0x3FA7] =	sst s1  }
0xa: {  	[smem:$0x3FA8] =	sst s2  }
0xb: {  	[smem:$0x3FA9] =	sst s3  }
0xc: {  	[smem:$0x3FAA] =	sst s4  }
0xd: {  	[smem:$0x3FAB] =	sst s5  }
0xe: {  	[smem:$0x3FAC] =	sst s6  }
0xf: {  	[smem:$0x3FAD] =	sst s7  }
0x10: {  	[smem:$0x3FAE] =	sst s8  }
0x11: {  	[smem:$0x3FAF] =	sst s9;
	s0 =	simm.s32 @!p0 $0x0  }
0x12: {  	s1 =	sld [smem:$0x3F95];
	s0 =	simm.s32 @p0 $0x1  }
0x13: {  	[smem:$0x3FB0] =	sst s0;
	s0 =	simm.s32 @!p1 $0x0  }
0x14: {  	s2 =	sld [smem:$0x3F94];
	s0 =	simm.s32 @p1 $0x1  }
0x15: {  	[smem:$0x3FB1] =	sst s0;
	s0 =	simm.s32 @!p2 $0x0  }
0x16: {  	s3 =	sld [smem:$0x3FDB];
	s0 =	simm.s32 @p2 $0x1  }
0x17: {  	s4 =	simm.s32 $0x1BF5;
	[smem:$0x3FB3] =	sst s0  }
0x18: {  	s0 =	sld [smem:$0x3F96];
	_ =	swait.ge [sflag:s4], $0x0  }
0x19: {  	s7 =	sld [smem:$0x3F97]  }
0x1a: {  	s8 =	sadd.s32 $0xFFFFE003, lr  }
0x1b: {  	s9 =	sadd.s32 $0xFFFFFEF7, lr;
	s5 =	simm.s32 $0xFFFFFFFF;
	p2 =	slt.u32 s8, $0xFFFFF086  }
0x1c: {  	p1 =	slt.u32 s9, $0xF7A;
	s5 =	simm.s32 @!p2 $0x0  }
0x1d: {  	s5 =	simm.s32 @p1 $0x1;
	p0 =	seq.s32 s7, s2  }
0x1e: {  	s7 =	smul.u32 @!p0 $0xF7A, s2;
	p2 =	seq.s32 @!p0 s5, $0x0  }
0x1f: {  	s9 =	smul.u32 $0xF7A, s1;
	s8 =	simm.s32 @!p0 $0x1BF5;
	p2 =	por !p2, p0  }
0x20: {  	[sflag:s8] =	ssyncset.s32 @!p0 $0xFFFFF086;
	s6 =	sadd.s32 @!p0 s3, s7;
	s7 =	simm.s32 @!p0 $0x108  }
0x21: {  	s3 =	sadd.s32 s3, s9;
	s6 =	sadd.s32 @!p0 $0x88, s6;
	s7 =	simm.s32 @p2 $0x1082  }
0x22: {  	[simem:s7], [sflag:s8] =	dma.local @!p0 [hbm:s6], $0xF7A  }
0x23: {  	s9 =	sor.u32 $0xD0000000, s2;
	s6 =	simm.s32 $0x108;
	_ =	swait.ge @!p0 [sflag:s8], $0x0  }
0x24: {  	s3 =	sadd.s32 $0x88, s3;
	s6 =	simm.s32 @!p1 $0x1082;
	[sflag:s4] =	ssyncset.s32 $0xFFFFF086  }
0x25: {  	[simem:s6], [sflag:s4] =	dma.local [hbm:s3], $0xF7A  }
0x26: {  	[smem:$0x3F97] =	sst s1;
	(tag) =	ssettag s2;
	_ =	strace s9  }
0x27: {  	s1 =	sld [smem:$0x3FA7]  }
0x28: {  	s2 =	sld [smem:$0x3FA8]  }
0x29: {  	s4 =	sld [smem:$0x3FAA]  }
0x2a: {  	p0 =	seq.s32 s5, $0x0;
	s5 =	sld [smem:$0x3FAB]  }
0x2b: {  	s6 =	sld [smem:$0x3FAC]  }
0x2c: {  	s7 =	sld [smem:$0x3FAD]  }
0x2d: {  	s3 =	simm.s32 $0x108;
	s8 =	sld [smem:$0x3FAE]  }
0x2e: {  	s3 =	simm.s32 @!p0 $0x1082;
	s9 =	sld [smem:$0x3FAF]  }
0x2f: {  	lr =	sadd.s32 s0, s3;
	s0 =	sld [smem:$0x3FA6]  }
0x30: {  	s3 =	sld [smem:$0x3FA9]  }
0x31: {  	[smem:$0x3FB2] =	sst s10  }
0x32: {  	s10 =	sld [smem:$0x3FB0];
	_ =	sdelay $0x3  }
0x33: {  	p0 =	seq.s32 s10, $0x1;
	s10 =	sld [smem:$0x3FB2];
	_ =	sdelay $0x3  }
0x34: {  	[smem:$0x3FB2] =	sst s10  }
0x35: {  	s10 =	sld [smem:$0x3FB1];
	_ =	sdelay $0x3  }
0x36: {  	p1 =	seq.s32 s10, $0x1;
	s10 =	sld [smem:$0x3FB2];
	_ =	sdelay $0x3  }
0x37: {  	[smem:$0x3FB2] =	sst s10  }
0x38: {  	s10 =	sld [smem:$0x3FB3]  }
0x39: {  	_ = 	snop;
	(pc) =	sbr.ind lr, $3  }
0x3a: {  	_ = 	snop  }
0x3b: {  	_ = 	snop  }
0x3c: {  	p2 =	seq.s32 s10, $0x1;
	s10 =	sld [smem:$0x3FB2]  }
0x3d: {  	_ =	shalt  }
0x3e: {  	_ =	shalt  }
0x3f: {  	_ =	shalt  }
0x40: {  	_ =	shalt  }
0x41: {  	_ =	shalt  }
0x42: {  	_ =	shalt  }
0x43: {  	_ =	shalt  }
0x44: {  	_ =	shalt  }
0x45: {  	_ =	shalt  }
0x46: {  	_ =	shalt  }
0x47: {  	_ =	shalt  }
0x48: {  	_ =	shalt  }
0x49: {  	_ =	shalt  }
0x4a: {  	_ =	shalt  }
0x4b: {  	_ =	shalt  }
0x4c: {  	_ =	shalt  }
0x4d: {  	_ =	shalt  }
0x4e: {  	_ =	shalt  }
0x4f: {  	_ =	shalt  }
0x50: {  	_ =	shalt  }
0x51: {  	_ =	shalt  }
0x52: {  	_ =	shalt  }
0x53: {  	_ =	shalt  }
0x54: {  	_ =	shalt  }
0x55: {  	_ =	shalt  }
0x56: {  	_ =	shalt  }
0x57: {  	_ =	shalt  }
0x58: {  	_ =	shalt  }
0x59: {  	_ =	shalt  }
0x5a: {  	_ =	shalt  }
0x5b: {  	_ =	shalt  }
0x5c: {  	_ =	shalt  }
0x5d: {  	_ =	shalt  }
0x5e: {  	_ =	shalt  }
0x5f: {  	_ =	shalt  }
0x60: {  	_ =	shalt  }
0x61: {  	_ =	shalt  }
0x62: {  	_ =	shalt  }
0x63: {  	_ =	shalt  }
0x64: {  	_ =	shalt  }
0x65: {  	_ =	shalt  }
0x66: {  	_ =	shalt  }
0x67: {  	_ =	shalt  }
0x68: {  	_ =	shalt  }
0x69: {  	_ =	shalt  }
0x6a: {  	_ =	shalt  }
0x6b: {  	_ =	shalt  }
0x6c: {  	_ =	shalt  }
0x6d: {  	_ =	shalt  }
0x6e: {  	_ =	shalt  }
0x6f: {  	_ =	shalt  }
0x70: {  	_ =	shalt  }
0x71: {  	_ =	shalt  }
0x72: {  	_ =	shalt  }
0x73: {  	_ =	shalt  }
0x74: {  	_ =	shalt  }
0x75: {  	_ =	shalt  }
0x76: {  	_ =	shalt  }
0x77: {  	_ =	shalt  }
0x78: {  	_ =	shalt  }
0x79: {  	_ =	shalt  }
0x7a: {  	_ =	shalt  }
0x7b: {  	_ =	shalt  }
0x7c: {  	_ =	shalt  }
0x7d: {  	_ =	shalt  }
0x7e: {  	_ =	shalt  }
0x7f: {  	_ =	shalt  }
0x80: {  	_ =	shalt  }
0x81: {  	_ =	shalt  }
0x82: {  	_ =	shalt  }
0x83: {  	_ =	shalt  }
0x84: {  	_ =	shalt  }
0x85: {  	_ =	shalt  }
0x86: {  	_ =	shalt  }
0x87: {  	_ =	shalt  }
.Lfunc_end0:
.L_simem_size_0:
called_computation_lowered:
.L_overlay_start_0:
0x88: {  	s2 =	sld [smem:$0x3FD9]  }
0x89: {  	s3 =	sld [smem:$0x3FFE];
	_ =	sdelay $0x1  }
0x8a: {  	s1 =	srdreg.scid  }
0x8b: {  	s0 =	sand.u32 $0x1, s1  }
0x8c: {  	s17 =	sshll.u32 s0, $0xA;
	s2 =	sadd.s32 s3, s2  }
0x8d: {  	s2 =	sadd.s32 s2, s17  }
0x8e: {  	[smem:$0x3FBE] =	sst s2  }
0x8f: {  	_ = 	snop  }
0x90: {  	s2 =	sld [smem:$0x3FC9];
	(tm) =	ssettm $0x1  }
0x91: {  	s18 =	sld [smem:$0x3FFB];
	_ =	sdelay $0x3  }
0x92: {  	_ =	strace s18  }
0x93: {  	s3 =	sld [smem:$0x3FFC];
	_ =	sdelay $0x3  }
0x94: {  	_ =	strace s3  }
0x95: {  	s3 =	sld [smem:$0x3FFD];
	_ =	sdelay $0x3  }
0x96: {  	_ =	strace s3  }
0x97: {  	_ =	strace $0x8FFFFFFF  }
0x98: {  	s19 =	sld [smem:$0x3FDB];
	_ =	sdelay $0x1  }
0x99: {  	s4 =	simm.s32 $_scs_section_size  }
0x9a: {  	s5 =	simm.s32 $_size__tile_overlayer_lowered;
	s6 =	simm.s32 $_tile_overlayer_lowered  }
0x9b: {  	s22 =	simm.s32 $0x1BFF;
	s21 =	sshll.u32 s6, $0x1;
	s3 =	sadd.s32 s4, s19  }
0x9c: {  	s7 =	simm.s32 $0x0;
	s20 =	sshll.u32 s5, $0x1;
	s5 =	sadd.s32 s21, s3  }
0x9d: {  	[timem:s7], [sflag:s22] =	dma.local [hbm:s5], s20  }
0x9e: {  	_ =	swait.ge [sflag:s22], s20  }
0x9f: {  	s4 =	ssub.s32 $0x0, s20;
	[sflag:s22] =	ssyncset.done $0x0  }
0xa0: {  	[sflag:s22] =	ssyncadd.s32 s4;
	_ =	sdelay $0x1  }
0xa1: {  	s23 =	simm.s32 $0x1B8B  }
0xa2: {  	_ =	swait.ge [sflag:s23], $0x1  }
0xa3: {  	[sflag:s23] =	ssyncset.done $0x0  }
0xa4: {  	s25 =	simm.s32 $0x1B8E;
	s24 =	sld [smem:$0x3FFE];
	[sflag:s23] =	ssyncadd.s32 $0xFFFFFFFF  }
0xa5: {  	s26 =	simm.s32 $execute0_lowered;
	[smem:$0x3FD2] =	sst s25  }
0xa6: {  	s5 =	sshll.u32 s26, $0x1;
	_ =	strace $0x80000046;
	[dreg:$0x1] =	wrdreg $0xFFFFFFFF  }
0xa7: {  	s28 =	simm.s32 $_size_execute0_lowered;
	s3 =	sadd.s32 s3, s5;
	[dreg:$0x0] =	wrdreg $0x0  }
0xa8: {  	s5 =	sshll.u32 s28, $0x1;
	[dreg:$0x2] =	wrdreg s3  }
0xa9: {  	[dreg:$0x3] =	wrdreg s5  }
0xaa: {  	[dreg:$0x4] =	wrdreg $0xC0  }
0xab: {  	_ =	task [dreg:s7], $0x5FFFF  }
0xac: {  	[dreg:$0x1] =	wrdreg $0xFFFFFFFF  }
0xad: {  	[dreg:$0x0] =	wrdreg $0x60  }
0xae: {  	[dreg:$0x2] =	wrdreg s2  }
0xaf: {  	[dreg:$0x3] =	wrdreg s24  }
0xb0: {  	[dreg:$0x4] =	wrdreg $0x90000  }
0xb1: {  	[dreg:$0x5] =	wrdreg $0x9  }
0xb2: {  	_ =	task.clear_ibuf [dreg:s7], $0x6FFFF;
	_ =	strace $0x90000046  }
0xb3: {  	s29 =	simm.s32 $0x9;
	_ =	strace $0x80000048  }
0xb4: {  	_ =	swait.ge [sflag:s29], $0x1  }
0xb5: {  	[sflag:s29] =	ssyncadd.s32 $0xFFFFFFFF  }
0xb6: {  	_ =	strace $0x90000048  }
0xb7: {  	_ =	sfence  }
0xb8: {  	s30 =	sld [smem:$0x0];
	_ =	sdelay $0x2  }
0xb9: {  	s31 =	sshll.u32 s1, $0xD;
	s1 =	sshrl.u32 s1, $0x2  }
0xba: {  	s3 =	sand.u32 $0x4000, s31;
	s1 =	sadd.s32 s1, s30  }
0xbb: {  	s0 =	sor.u32 s3, s0;
	s1 =	sshll.u32 s1, $0x11  }
0xbc: {  	s0 =	sor.u32 s1, s0  }
0xbd: {  	s0 =	sadd.s32 $0x8F2B, s0  }
0xbe: {  	[sflag:s0] =	ssyncadd.remote.s32 $0x1  }
0xbf: {  	_ =	sfence.sel $0xFFFF  }
0xc0: {  	[dreg:$0x0] =	wrdreg $0xFFFFFFFF;
	(pc) =	sbr.abs _section_cstart, $3  }
0xc1: {  	[dreg:$0x1] =	wrdreg $0xFFFFFFFF  }
0xc2: {  	_ =	task.clear_ibuf [dreg:s7], $0x2FFFF;
	_ =	strace $0x9FFFFFFF  }
0xc3: {  	(tm) =	ssettm $0x7FFFFFFF  }
tec
execute0_lowered:
.L_overlay_start_1:
0x0: {  	(tag) =	ssettag $0x1  }
0x1: {  	s1 =	rddreg [dreg:$0x0]  }
0x2: {  	s0 =	rddreg [dreg:$0x1]  }
0x3: {  	s3 =	rddreg [dreg:$0x2];
	s4 =	simm.s32 $0x0  }
0x4: {  	s2 =	srdreg.scid;
	s8 =	stileid.u32;
	s14 =	simm.s32 $0x1000  }
0x5: {  	s15 =	simm.s32 $0x5;
	s16 =	simm.s32 $0x800;
	s17 =	simm.s32 $0x80  }
0x6: {  	s10 =	simm.s32 $0x500;
	s11 =	simm.s32 $0xD00;
	s12 =	simm.s32 $0x580  }
0x7: {  	s13 =	simm.s32 $0xD80;
	s28 =	simm.s32 $0xF00;
	s5 =	smul.u32 $0x9, s8  }
0x8: {  	s29 =	simm.s32 $0x780;
	s30 =	simm.s32 $0xF80;
	s18 =	smul.u32 $0x13C00, s8  }
0x9: {  	s2 =	sand.u32 $0x1, s2;
	s6 =	sor.u32 $0x90, s8;
	s8 =	smul.u32 $0x4F000, s8  }
0xa: {  	[smem:$0x7FF] =	sst s4;
	p0 =	seq.s32 s2, $0x0;
	s7 =	smul.u32 $0x13C000, s2  }
0xb: {  	_ =	strace $0x80000047;
	s19 =	ssub.s32 $0x2, s2;
	s6 =	smov.u32 @p0 s5  }
0xc: {  	s9 =	sshrl.u32 s19, $0x1;
	s8 =	sshrl.u32 s8, $0x2;
	p0 =	sne.s32 s2, $0x0  }
0xd: {  	s2 =	simm.s32 $0x480;
	s6 =	sshll.u32 s6, $0x8;
	s5 =	sadd.s32 s18, s7  }
0xe: {  	s20 =	ssub.s32 s19, s9;
	s9 =	sadd.s32 s8, s3;
	s18 =	simm.s32 $0x1  }
0xf: {  	s19 =	simm.s32 $0x5000;
	s21 =	sadd.s32 $0x10000, s9;
	[dreg:$0x4] =	wrdreg s9  }
0x10: {  	s6 =	sadd.s32 s6, s0;
	s22 =	smax.u32 s20, $0x1;
	[dreg:$0x5] =	wrdreg s21  }
0x11: {  	s5 =	sshrl.u32 s5, $0x3;
	s23 =	sadd.s32 $0x4000, s9;
	[dreg:$0x7] =	wrdreg s22  }
0x12: {  	s24 =	sadd.s32 $0x8000, s9;
	s25 =	sadd.s32 $0xC000, s9;
	[dreg:$0x8] =	wrdreg s23  }
0x13: {  	s20 =	simm.s32 $0x2;
	s0 =	sadd.s32 s5, s0;
	[dreg:$0x9] =	wrdreg s24  }
0x14: {  	[dreg:$0xa] =	wrdreg s25;
	s26 =	sadd.s32 $0x2000, s6;
	s31 =	sadd.s32 $0xC000, s6  }
0x15: {  	s21 =	simm.s32 $0x3;
	s24 =	simm.s32 $0x4;
	s5 =	simm.s32 $0x600  }
0x16: {  	s22 =	simm.s32 $0xE00;
	s23 =	simm.s32 $0x680;
	[dreg:$0xb] =	wrdreg s26  }
0x17: {  	s25 =	simm.s32 $0xE80;
	s0 =	sadd.s32 $0x16000, s0;
	[dreg:$0xc] =	wrdreg s31  }
0x18: {  	v0 =	vimm.f32 $0.0e+00;
	s26 =	simm.s32 $0x700;
	[dreg:$0x6] =	wrdreg s0;
	s0 =	simm.s32 $0x0  }
.LBB2_1:
0x19: {  	[dreg:$0xd] =	wrdreg s0;
	s6 =	simm.s32 $0x0;
	s7 =	simm.s32 $0x200  }
.LBB2_2:
0x1a: {  	p1 =	sne.s32 s7, $0xFE00;
	[tilespmem:s6+$0x1070] =	vst v0  }
0x1b: {  	[tilespmem:s6+$0x1000] =	vst v0  }
0x1c: {  	[tilespmem:s6+$0x1010] =	vst v0  }
.Ltmp0:
0x1d: {  	[tilespmem:s6+$0x1020] =	vst v0;
	(pc) =	sbr.rel @p1 .LBB2_2-.Ltmp0, $4  }
0x1e: {  	[tilespmem:s6+$0x1030] =	vst v0  }
0x1f: {  	[tilespmem:s6+$0x1040] =	vst v0  }
0x20: {  	[tilespmem:s6+$0x1050] =	vst v0  }
0x21: {  	[tilespmem:s6+$0x1060] =	vst v0;
	s6 =	sshra.s32 s7, $0x2;
	s7 =	sadd.s32 $0x200, s7  }
0x22: {  	[tilespmem:s6+$0x1070] =	vst v0  }
0x23: {  	[tilespmem:s6+$0x1000] =	vst v0  }
0x24: {  	[tilespmem:s6+$0x1010] =	vst v0  }
0x25: {  	[tilespmem:s6+$0x1020] =	vst v0  }
0x26: {  	[tilespmem:s6+$0x1030] =	vst v0  }
0x27: {  	[tilespmem:s6+$0x1040] =	vst v0  }
0x28: {  	[tilespmem:s6+$0x1050] =	vst v0  }
0x29: {  	[tilespmem:s6+$0x1060] =	vst v0  }
0x2a: {  	[spmem:s9] =	stream.linear.scatter [tilespmem:s14], [sflag:$0x5], $0x4000, $0x38;
	[tilespmem:$0x1CC00] =	vst v63  }
0x2b: {  	_ =	swait.ge [sflag:s15], $0x4000  }
0x2c: {  	[sflag:s15] =	ssyncset.done $0x0  }
0x2d: {  	s7 =	rddreg [dreg:$0x8];
	[sflag:s15] =	ssyncadd.s32 $0xFFFFC000  }
0x2e: {  	[spmem:s7] =	stream.linear.scatter [tilespmem:s14], [sflag:$0x5], $0x4000, $0x38;
	[tilespmem:$0x1CC00] =	vst v63  }
0x2f: {  	_ =	swait.ge [sflag:s15], $0x4000  }
0x30: {  	[sflag:s15] =	ssyncset.done $0x0  }
0x31: {  	s8 =	rddreg [dreg:$0x9];
	[sflag:s15] =	ssyncadd.s32 $0xFFFFC000  }
0x32: {  	[spmem:s8] =	stream.linear.scatter [tilespmem:s14], [sflag:$0x5], $0x4000, $0x38;
	[tilespmem:$0x1CC00] =	vst v63  }
0x33: {  	_ =	swait.ge [sflag:s15], $0x4000  }
0x34: {  	[sflag:s15] =	ssyncset.done $0x0  }
0x35: {  	s9 =	rddreg [dreg:$0xa];
	[sflag:s15] =	ssyncadd.s32 $0xFFFFC000  }
0x36: {  	[spmem:s9] =	stream.linear.scatter [tilespmem:s14], [sflag:$0x5], $0x4000, $0x38;
	[tilespmem:$0x1CC00] =	vst v63  }
0x37: {  	_ =	swait.ge [sflag:s15], $0x4000  }
0x38: {  	[sflag:s15] =	ssyncset.done $0x0  }
0x39: {  	s31 =	rddreg [dreg:$0x5];
	[sflag:s15] =	ssyncadd.s32 $0xFFFFC000  }
0x3a: {  	[spmem:s31] =	stream.linear.scatter [tilespmem:s14], [sflag:$0x5], $0x3C00, $0x38;
	[tilespmem:$0x1CC00] =	vst v63  }
0x3b: {  	_ =	swait.ge [sflag:s15], $0x3C00  }
0x3c: {  	[sflag:s15] =	ssyncset.done $0x0  }
0x3d: {  	[sflag:s15] =	ssyncadd.s32 $0xFFFFC400  }
0x3e: {  	[bflag:$0x0] =	sbarrier.arrive $0xFFFF  }
0x3f: {  	s0 =	simm.s32 $0xC00;
	s6 =	rddreg [dreg:$0xc]  }
0x40: {  	s8 =	simm.s32 $0x0;
	s9 =	simm.s32 $0xC80;
	s7 =	rddreg [dreg:$0xb]  }
.LBB2_4:
0x41: {  	[tilespmem:s4], [sflag:$0x5] =	stream.linear.gather [hbm4b:s6+s4], $0x800, $0x38;
	[tilespmem:$0x1CC00] =	vst v63  }
0x42: {  	_ =	swait.ge [sflag:s15], $0x800  }
0x43: {  	[sflag:s15] =	ssyncset.done $0x0  }
0x44: {  	[sflag:s15] =	ssyncadd.s32 $0xFFFFF800  }
0x45: {  	[tilespmem:s16], [sflag:$0x5] =	stream.linear.gather [hbm4b:s7+s4], $0x800, $0x38;
	[tilespmem:$0x1CC00] =	vst v63  }
0x46: {  	_ =	swait.ge [sflag:s15], $0x800  }
0x47: {  	[sflag:s15] =	ssyncset.done $0x0  }
0x48: {  	[sflag:s15] =	ssyncadd.s32 $0xFFFFF800  }
0x49: {  	[tilespmem:s14], [sflag:$0x1] =	stream.indirect.gather [hbm4b:s1+s17], $0x80, s4, s17, $0xb8;
	[tilespmem:$0x1CC00] =	vst v63  }
0x4a: {  	_ =	swait.ge [sflag:s18], $0x4000  }
0x4b: {  	[sflag:s18] =	ssyncset.done $0x0  }
0x4c: {  	[sflag:s18] =	ssyncadd.s32 $0xFFFFC000  }
0x4d: {  	[spmem:s3] =	stream.indirect.scatter.add.f32 [tilespmem:s14], [sflag:$0x3], $0x80, s16, s17, $0xb8;
	[tilespmem:$0x1CC00] =	vst v63  }
0x4e: {  	_ = 	snop  }
0x4f: {  	[tilespmem:s19], [sflag:$0x2] =	stream.indirect.gather [hbm4b:s1+s17], $0x80, s17, s17, $0xb8;
	[tilespmem:$0x1CC00] =	vst v63  }
0x50: {  	_ =	swait.ge [sflag:s20], $0x4000  }
0x51: {  	[sflag:s20] =	ssyncset.done $0x0  }
0x52: {  	[sflag:s20] =	ssyncadd.s32 $0xFFFFC000  }
0x53: {  	_ =	swait.ge [sflag:s21], $0x4000  }
0x54: {  	[sflag:s21] =	ssyncset.done $0x0  }
0x55: {  	s31 =	simm.s32 $0x880;
	[sflag:s21] =	ssyncadd.s32 $0xFFFFC000  }
0x56: {  	[spmem:s3] =	stream.indirect.scatter.add.f32 [tilespmem:s19], [sflag:$0x4], $0x80, s31, s17, $0xb8;
	[tilespmem:$0x1CC00] =	vst v63  }
0x57: {  	s31 =	simm.s32 $0x100  }
0x58: {  	[tilespmem:s14], [sflag:$0x1] =	stream.indirect.gather [hbm4b:s1+s17], $0x80, s31, s17, $0xb8;
	[tilespmem:$0x1CC00] =	vst v63  }
0x59: {  	_ =	swait.ge [sflag:s18], $0x4000  }
0x5a: {  	[sflag:s18] =	ssyncset.done $0x0  }
0x5b: {  	[sflag:s18] =	ssyncadd.s32 $0xFFFFC000  }
0x5c: {  	_ =	swait.ge [sflag:s24], $0x4000  }
0x5d: {  	[sflag:s24] =	ssyncset.done $0x0  }
0x5e: {  	s31 =	simm.s32 $0x900;
	[sflag:s24] =	ssyncadd.s32 $0xFFFFC000  }
0x5f: {  	[spmem:s3] =	stream.indirect.scatter.add.f32 [tilespmem:s14], [sflag:$0x3], $0x80, s31, s17, $0xb8;
	[tilespmem:$0x1CC00] =	vst v63  }
0x60: {  	s31 =	simm.s32 $0x180  }
0x61: {  	[tilespmem:s19], [sflag:$0x2] =	stream.indirect.gather [hbm4b:s1+s17], $0x80, s31, s17, $0xb8;
	[tilespmem:$0x1CC00] =	vst v63  }
0x62: {  	_ =	swait.ge [sflag:s20], $0x4000  }
0x63: {  	[sflag:s20] =	ssyncset.done $0x0  }
0x64: {  	[sflag:s20] =	ssyncadd.s32 $0xFFFFC000  }
0x65: {  	_ =	swait.ge [sflag:s21], $0x4000  }
0x66: {  	[sflag:s21] =	ssyncset.done $0x0  }
0x67: {  	s31 =	simm.s32 $0x980;
	[sflag:s21] =	ssyncadd.s32 $0xFFFFC000  }
0x68: {  	[spmem:s3] =	stream.indirect.scatter.add.f32 [tilespmem:s19], [sflag:$0x4], $0x80, s31, s17, $0xb8;
	[tilespmem:$0x1CC00] =	vst v63  }
0x69: {  	s31 =	simm.s32 $0x200  }
0x6a: {  	[tilespmem:s14], [sflag:$0x1] =	stream.indirect.gather [hbm4b:s1+s17], $0x80, s31, s17, $0xb8;
	[tilespmem:$0x1CC00] =	vst v63  }
0x6b: {  	_ =	swait.ge [sflag:s18], $0x4000  }
0x6c: {  	[sflag:s18] =	ssyncset.done $0x0  }
0x6d: {  	[sflag:s18] =	ssyncadd.s32 $0xFFFFC000  }
0x6e: {  	_ =	swait.ge [sflag:s24], $0x4000  }
0x6f: {  	[sflag:s24] =	ssyncset.done $0x0  }
0x70: {  	s31 =	simm.s32 $0xA00;
	[sflag:s24] =	ssyncadd.s32 $0xFFFFC000  }
0x71: {  	[spmem:s3] =	stream.indirect.scatter.add.f32 [tilespmem:s14], [sflag:$0x3], $0x80, s31, s17, $0xb8;
	[tilespmem:$0x1CC00] =	vst v63  }
0x72: {  	s31 =	simm.s32 $0x280  }
0x73: {  	[tilespmem:s19], [sflag:$0x2] =	stream.indirect.gather [hbm4b:s1+s17], $0x80, s31, s17, $0xb8;
	[tilespmem:$0x1CC00] =	vst v63  }
0x74: {  	_ =	swait.ge [sflag:s20], $0x4000  }
0x75: {  	[sflag:s20] =	ssyncset.done $0x0  }
0x76: {  	[sflag:s20] =	ssyncadd.s32 $0xFFFFC000  }
0x77: {  	_ =	swait.ge [sflag:s21], $0x4000  }
0x78: {  	[sflag:s21] =	ssyncset.done $0x0  }
0x79: {  	s31 =	simm.s32 $0xA80;
	[sflag:s21] =	ssyncadd.s32 $0xFFFFC000  }
0x7a: {  	[spmem:s3] =	stream.indirect.scatter.add.f32 [tilespmem:s19], [sflag:$0x4], $0x80, s31, s17, $0xb8;
	[tilespmem:$0x1CC00] =	vst v63  }
0x7b: {  	s31 =	simm.s32 $0x300  }
0x7c: {  	[tilespmem:s14], [sflag:$0x1] =	stream.indirect.gather [hbm4b:s1+s17], $0x80, s31, s17, $0xb8;
	[tilespmem:$0x1CC00] =	vst v63  }
0x7d: {  	_ =	swait.ge [sflag:s18], $0x4000  }
0x7e: {  	[sflag:s18] =	ssyncset.done $0x0  }
0x7f: {  	[sflag:s18] =	ssyncadd.s32 $0xFFFFC000  }
0x80: {  	_ =	swait.ge [sflag:s24], $0x4000  }
0x81: {  	[sflag:s24] =	ssyncset.done $0x0  }
0x82: {  	s31 =	simm.s32 $0xB00;
	[sflag:s24] =	ssyncadd.s32 $0xFFFFC000  }
0x83: {  	[spmem:s3] =	stream.indirect.scatter.add.f32 [tilespmem:s14], [sflag:$0x3], $0x80, s31, s17, $0xb8;
	[tilespmem:$0x1CC00] =	vst v63  }
0x84: {  	s31 =	simm.s32 $0x380  }
0x85: {  	[tilespmem:s19], [sflag:$0x2] =	stream.indirect.gather [hbm4b:s1+s17], $0x80, s31, s17, $0xb8;
	[tilespmem:$0x1CC00] =	vst v63  }
0x86: {  	_ =	swait.ge [sflag:s20], $0x4000  }
0x87: {  	[sflag:s20] =	ssyncset.done $0x0  }
0x88: {  	[sflag:s20] =	ssyncadd.s32 $0xFFFFC000  }
0x89: {  	_ =	swait.ge [sflag:s21], $0x4000  }
0x8a: {  	[sflag:s21] =	ssyncset.done $0x0  }
0x8b: {  	s31 =	simm.s32 $0xB80;
	[sflag:s21] =	ssyncadd.s32 $0xFFFFC000  }
0x8c: {  	[spmem:s3] =	stream.indirect.scatter.add.f32 [tilespmem:s19], [sflag:$0x4], $0x80, s31, s17, $0xb8;
	[tilespmem:$0x1CC00] =	vst v63  }
0x8d: {  	s31 =	simm.s32 $0x400  }
0x8e: {  	[tilespmem:s14], [sflag:$0x1] =	stream.indirect.gather [hbm4b:s1+s17], $0x80, s31, s17, $0xb8;
	[tilespmem:$0x1CC00] =	vst v63  }
0x8f: {  	_ =	swait.ge [sflag:s18], $0x4000  }
0x90: {  	[sflag:s18] =	ssyncset.done $0x0  }
0x91: {  	[sflag:s18] =	ssyncadd.s32 $0xFFFFC000  }
0x92: {  	_ =	swait.ge [sflag:s24], $0x4000  }
0x93: {  	[sflag:s24] =	ssyncset.done $0x0  }
0x94: {  	[sflag:s24] =	ssyncadd.s32 $0xFFFFC000  }
0x95: {  	[spmem:s3] =	stream.indirect.scatter.add.f32 [tilespmem:s14], [sflag:$0x3], $0x80, s0, s17, $0xb8;
	[tilespmem:$0x1CC00] =	vst v63  }
0x96: {  	_ = 	snop  }
0x97: {  	[tilespmem:s19], [sflag:$0x2] =	stream.indirect.gather [hbm4b:s1+s17], $0x80, s2, s17, $0xb8;
	[tilespmem:$0x1CC00] =	vst v63  }
0x98: {  	_ =	swait.ge [sflag:s20], $0x4000  }
0x99: {  	[sflag:s20] =	ssyncset.done $0x0  }
0x9a: {  	[sflag:s20] =	ssyncadd.s32 $0xFFFFC000  }
0x9b: {  	_ =	swait.ge [sflag:s21], $0x4000  }
0x9c: {  	[sflag:s21] =	ssyncset.done $0x0  }
0x9d: {  	[sflag:s21] =	ssyncadd.s32 $0xFFFFC000  }
0x9e: {  	[spmem:s3] =	stream.indirect.scatter.add.f32 [tilespmem:s19], [sflag:$0x4], $0x80, s9, s17, $0xb8;
	[tilespmem:$0x1CC00] =	vst v63  }
0x9f: {  	_ = 	snop  }
0xa0: {  	[tilespmem:s14], [sflag:$0x1] =	stream.indirect.gather [hbm4b:s1+s17], $0x80, s10, s17, $0xb8;
	[tilespmem:$0x1CC00] =	vst v63  }
0xa1: {  	_ =	swait.ge [sflag:s18], $0x4000  }
0xa2: {  	[sflag:s18] =	ssyncset.done $0x0  }
0xa3: {  	[sflag:s18] =	ssyncadd.s32 $0xFFFFC000  }
0xa4: {  	_ =	swait.ge [sflag:s24], $0x4000  }
0xa5: {  	[sflag:s24] =	ssyncset.done $0x0  }
0xa6: {  	[sflag:s24] =	ssyncadd.s32 $0xFFFFC000  }
0xa7: {  	[spmem:s3] =	stream.indirect.scatter.add.f32 [tilespmem:s14], [sflag:$0x3], $0x80, s11, s17, $0xb8;
	[tilespmem:$0x1CC00] =	vst v63  }
0xa8: {  	_ = 	snop  }
0xa9: {  	[tilespmem:s19], [sflag:$0x2] =	stream.indirect.gather [hbm4b:s1+s17], $0x80, s12, s17, $0xb8;
	[tilespmem:$0x1CC00] =	vst v63  }
0xaa: {  	_ =	swait.ge [sflag:s20], $0x4000  }
0xab: {  	[sflag:s20] =	ssyncset.done $0x0  }
0xac: {  	[sflag:s20] =	ssyncadd.s32 $0xFFFFC000  }
0xad: {  	_ =	swait.ge [sflag:s21], $0x4000  }
0xae: {  	[sflag:s21] =	ssyncset.done $0x0  }
0xaf: {  	[sflag:s21] =	ssyncadd.s32 $0xFFFFC000  }
0xb0: {  	[spmem:s3] =	stream.indirect.scatter.add.f32 [tilespmem:s19], [sflag:$0x4], $0x80, s13, s17, $0xb8;
	[tilespmem:$0x1CC00] =	vst v63  }
0xb1: {  	_ = 	snop  }
0xb2: {  	[tilespmem:s14], [sflag:$0x1] =	stream.indirect.gather [hbm4b:s1+s17], $0x80, s5, s17, $0xb8;
	[tilespmem:$0x1CC00] =	vst v63  }
0xb3: {  	_ =	swait.ge [sflag:s18], $0x4000  }
0xb4: {  	[sflag:s18] =	ssyncset.done $0x0  }
0xb5: {  	[sflag:s18] =	ssyncadd.s32 $0xFFFFC000  }
0xb6: {  	_ =	swait.ge [sflag:s24], $0x4000  }
0xb7: {  	[sflag:s24] =	ssyncset.done $0x0  }
0xb8: {  	[sflag:s24] =	ssyncadd.s32 $0xFFFFC000  }
0xb9: {  	[spmem:s3] =	stream.indirect.scatter.add.f32 [tilespmem:s14], [sflag:$0x3], $0x80, s22, s17, $0xb8;
	[tilespmem:$0x1CC00] =	vst v63  }
0xba: {  	_ = 	snop  }
0xbb: {  	[tilespmem:s19], [sflag:$0x2] =	stream.indirect.gather [hbm4b:s1+s17], $0x80, s23, s17, $0xb8;
	[tilespmem:$0x1CC00] =	vst v63  }
0xbc: {  	_ =	swait.ge [sflag:s20], $0x4000  }
0xbd: {  	[sflag:s20] =	ssyncset.done $0x0  }
0xbe: {  	[sflag:s20] =	ssyncadd.s32 $0xFFFFC000  }
0xbf: {  	_ =	swait.ge [sflag:s21], $0x4000  }
0xc0: {  	[sflag:s21] =	ssyncset.done $0x0  }
0xc1: {  	[sflag:s21] =	ssyncadd.s32 $0xFFFFC000  }
0xc2: {  	[spmem:s3] =	stream.indirect.scatter.add.f32 [tilespmem:s19], [sflag:$0x4], $0x80, s25, s17, $0xb8;
	[tilespmem:$0x1CC00] =	vst v63  }
0xc3: {  	_ = 	snop  }
0xc4: {  	[tilespmem:s14], [sflag:$0x1] =	stream.indirect.gather [hbm4b:s1+s17], $0x80, s26, s17, $0xb8;
	[tilespmem:$0x1CC00] =	vst v63  }
0xc5: {  	_ =	swait.ge [sflag:s18], $0x4000  }
0xc6: {  	[sflag:s18] =	ssyncset.done $0x0  }
0xc7: {  	[sflag:s18] =	ssyncadd.s32 $0xFFFFC000  }
0xc8: {  	_ =	swait.ge [sflag:s24], $0x4000  }
0xc9: {  	[sflag:s24] =	ssyncset.done $0x0  }
0xca: {  	[sflag:s24] =	ssyncadd.s32 $0xFFFFC000  }
0xcb: {  	[spmem:s3] =	stream.indirect.scatter.add.f32 [tilespmem:s14], [sflag:$0x3], $0x80, s28, s17, $0xb8;
	[tilespmem:$0x1CC00] =	vst v63  }
0xcc: {  	_ = 	snop  }
0xcd: {  	[tilespmem:s19], [sflag:$0x2] =	stream.indirect.gather [hbm4b:s1+s17], $0x80, s29, s17, $0xb8;
	[tilespmem:$0x1CC00] =	vst v63  }
0xce: {  	_ =	swait.ge [sflag:s20], $0x4000  }
0xcf: {  	[sflag:s20] =	ssyncset.done $0x0  }
0xd0: {  	[sflag:s20] =	ssyncadd.s32 $0xFFFFC000  }
0xd1: {  	p1 =	slt.u32 @!p0 s8, $0x8;
	_ =	swait.ge [sflag:s21], $0x4000  }
0xd2: {  	p1 =	por p0, !p1;
	[sflag:s21] =	ssyncset.done $0x0  }
.Ltmp1:
0xd3: {  	[sflag:s21] =	ssyncadd.s32 $0xFFFFC000;
	(pc) =	sbr.rel @!p1 .LBB2_4-.Ltmp1, $4  }
0xd4: {  	[spmem:s3] =	stream.indirect.scatter.add.f32 [tilespmem:s19], [sflag:$0x4], $0x80, s30, s17, $0xb8;
	[tilespmem:$0x1CC00] =	vst v63  }
0xd5: {  	_ =	swait.ge [sflag:s24], $0x4000  }
0xd6: {  	s8 =	sadd.s32 $0x1, s8;
	[sflag:s24] =	ssyncset.done $0x0  }
0xd7: {  	s6 =	sadd.s32 $0x100, s6;
	s7 =	sadd.s32 $0x100, s7;
	[sflag:s24] =	ssyncadd.s32 $0xFFFFC000  }
0xd8: {  	s6 =	stileid.u32;
	[bflag:$0x0] =	sbarrier.arrive $0xFFFF  }
0xd9: {  	s6 =	sshll.u32 s6, $0x6;
	s9 =	rddreg [dreg:$0x4]  }
0xda: {  	s8 =	rddreg [dreg:$0x6];
	s6 =	sor.u32 $0x1C05, s6;
	s7 =	sshrl.u32 s9, $0x3  }
0xdb: {  	[hbm:s8], [sflag:s6] =	dma.local [spmem:s7], $0x2780  }
0xdc: {  	_ =	swait.ge [sflag:s15], $0x2780  }
0xdd: {  	s0 =	rddreg [dreg:$0xd]  }
0xde: {  	s31 =	rddreg [dreg:$0x7];
	s0 =	sadd.s32 $0x1, s0  }
0xdf: {  	p1 =	sne.s32 s0, s31  }
.Ltmp2:
0xe0: {  	_ = 	snop;
	(pc) =	sbr.rel @p1 .LBB2_1-.Ltmp2, $3  }
0xe1: {  	_ =	sdelay $0x1  }
0xe2: {  	[sflag:s15] =	ssyncset.done $0x0  }
0xe3: {  	[sflag:s15] =	ssyncadd.s32 $0xFFFFD880  }
0xe4: {  	_ =	sfence.sel $0x180000  }
0xe5: {  	[bflag:$0x0] =	sbarrier.arrive $0xFFFF  }
0xe6: {  	_ =	strace $0x90000047  }
0xe7: {  	s0 =	stileid.u32;
	[bflag:$0x2] =	sbarrier.arrive $0xFFFF  }
0xe8: {  	p0 =	sne.s32 s0, $0x0;
	s0 =	rddreg [dreg:$0x3]  }
0xe9: {  	s0 =	sadd.s32 @!p0 $0x100000, s0  }
0xea: {  	[sflag:s0] =	ssyncadd.tile.s32 @!p0 $0x1;
	_ =	shalt  }
.Lfunc_end2:
_tile_overlayer_lowered:
.L_overlay_start_2:
0xeb: {  	(tag) =	ssettag $0x2  }
0xec: {  	s0 =	rddreg [dreg:$0x0];
	s2 =	stileid.u32  }
0xed: {  	s1 =	rddreg [dreg:$0x1];
	p0 =	sne.s32 s2, $0x0  }
0xee: {  	s3 =	rddreg [dreg:$0x2];
	[bflag:$0x3] =	sbarrier.arrive $0xFFFF;
	s2 =	simm.s32 @!p0 $0x1C05  }
0xef: {  	[timem:s3], [sflag:s2] =	dma.local @!p0 [hbm:s0], s1  }
0xf0: {  	s0 =	simm.s32 @!p0 $0x5  }
0xf1: {  	_ =	swait.ge @!p0 [sflag:s0], s1  }
0xf2: {  	s1 =	ssub.s32 @!p0 $0x0, s1;
	[sflag:s0] =	ssyncset.done @!p0 $0x0  }
0xf3: {  	[sflag:s0] =	ssyncadd.s32 @!p0 s1  }
0xf4: {  	[bflag:$0x3] =	sbarrier.arrive $0xFFFF  }
0xf5: {  	_ =	shalt  }

// kernel: kernel.9.cloned.1.call-start
scs
__scs_entry_jumppad:
0x0: {  	(pc) =	sbr.rel $0x88, $3  }
0x1: {  	(tag) =	ssettag $0x0;
	lr =	simm.s32 $0x1  }
0x2: {  	[smem:$0x3F97] =	sst lr;
	_ =	strace $0xD0000000  }
0x3: {  	_ = 	snop  }
0x4: {  	_ = 	snop  }
0x5: {  	_ = 	snop  }
0x6: {  	_ = 	snop  }
0x7: {  	_ = 	snop  }
__scs_overlays_trampoline_lowered:
0x8: {  	[smem:$0x3FA6] =	sst s0  }
0x9: {  	[smem:$0x3FA7] =	sst s1  }
0xa: {  	[smem:$0x3FA8] =	sst s2  }
0xb: {  	[smem:$0x3FA9] =	sst s3  }
0xc: {  	[smem:$0x3FAA] =	sst s4  }
0xd: {  	[smem:$0x3FAB] =	sst s5  }
0xe: {  	[smem:$0x3FAC] =	sst s6  }
0xf: {  	[smem:$0x3FAD] =	sst s7  }
0x10: {  	[smem:$0x3FAE] =	sst s8  }
0x11: {  	[smem:$0x3FAF] =	sst s9;
	s0 =	simm.s32 @!p0 $0x0  }
0x12: {  	s1 =	sld [smem:$0x3F95];
	s0 =	simm.s32 @p0 $0x1  }
0x13: {  	[smem:$0x3FB0] =	sst s0;
	s0 =	simm.s32 @!p1 $0x0  }
0x14: {  	s2 =	sld [smem:$0x3F94];
	s0 =	simm.s32 @p1 $0x1  }
0x15: {  	[smem:$0x3FB1] =	sst s0;
	s0 =	simm.s32 @!p2 $0x0  }
0x16: {  	s3 =	sld [smem:$0x3FDB];
	s0 =	simm.s32 @p2 $0x1  }
0x17: {  	s4 =	simm.s32 $0x1BF5;
	[smem:$0x3FB3] =	sst s0  }
0x18: {  	s0 =	sld [smem:$0x3F96];
	_ =	swait.ge [sflag:s4], $0x0  }
0x19: {  	s7 =	sld [smem:$0x3F97]  }
0x1a: {  	s8 =	sadd.s32 $0xFFFFE003, lr  }
0x1b: {  	s9 =	sadd.s32 $0xFFFFFEF7, lr;
	s5 =	simm.s32 $0xFFFFFFFF;
	p2 =	slt.u32 s8, $0xFFFFF086  }
0x1c: {  	p1 =	slt.u32 s9, $0xF7A;
	s5 =	simm.s32 @!p2 $0x0  }
0x1d: {  	s5 =	simm.s32 @p1 $0x1;
	p0 =	seq.s32 s7, s2  }
0x1e: {  	s7 =	smul.u32 @!p0 $0xF7A, s2;
	p2 =	seq.s32 @!p0 s5, $0x0  }
0x1f: {  	s9 =	smul.u32 $0xF7A, s1;
	s8 =	simm.s32 @!p0 $0x1BF5;
	p2 =	por !p2, p0  }
0x20: {  	[sflag:s8] =	ssyncset.s32 @!p0 $0xFFFFF086;
	s6 =	sadd.s32 @!p0 s3, s7;
	s7 =	simm.s32 @!p0 $0x108  }
0x21: {  	s3 =	sadd.s32 s3, s9;
	s6 =	sadd.s32 @!p0 $0x88, s6;
	s7 =	simm.s32 @p2 $0x1082  }
0x22: {  	[simem:s7], [sflag:s8] =	dma.local @!p0 [hbm:s6], $0xF7A  }
0x23: {  	s9 =	sor.u32 $0xD0000000, s2;
	s6 =	simm.s32 $0x108;
	_ =	swait.ge @!p0 [sflag:s8], $0x0  }
0x24: {  	s3 =	sadd.s32 $0x88, s3;
	s6 =	simm.s32 @!p1 $0x1082;
	[sflag:s4] =	ssyncset.s32 $0xFFFFF086  }
0x25: {  	[simem:s6], [sflag:s4] =	dma.local [hbm:s3], $0xF7A  }
0x26: {  	[smem:$0x3F97] =	sst s1;
	(tag) =	ssettag s2;
	_ =	strace s9  }
0x27: {  	s1 =	sld [smem:$0x3FA7]  }
0x28: {  	s2 =	sld [smem:$0x3FA8]  }
0x29: {  	s4 =	sld [smem:$0x3FAA]  }
0x2a: {  	p0 =	seq.s32 s5, $0x0;
	s5 =	sld [smem:$0x3FAB]  }
0x2b: {  	s6 =	sld [smem:$0x3FAC]  }
0x2c: {  	s7 =	sld [smem:$0x3FAD]  }
0x2d: {  	s3 =	simm.s32 $0x108;
	s8 =	sld [smem:$0x3FAE]  }
0x2e: {  	s3 =	simm.s32 @!p0 $0x1082;
	s9 =	sld [smem:$0x3FAF]  }
0x2f: {  	lr =	sadd.s32 s0, s3;
	s0 =	sld [smem:$0x3FA6]  }
0x30: {  	s3 =	sld [smem:$0x3FA9]  }
0x31: {  	[smem:$0x3FB2] =	sst s10  }
0x32: {  	s10 =	sld [smem:$0x3FB0];
	_ =	sdelay $0x3  }
0x33: {  	p0 =	seq.s32 s10, $0x1;
	s10 =	sld [smem:$0x3FB2];
	_ =	sdelay $0x3  }
0x34: {  	[smem:$0x3FB2] =	sst s10  }
0x35: {  	s10 =	sld [smem:$0x3FB1];
	_ =	sdelay $0x3  }
0x36: {  	p1 =	seq.s32 s10, $0x1;
	s10 =	sld [smem:$0x3FB2];
	_ =	sdelay $0x3  }
0x37: {  	[smem:$0x3FB2] =	sst s10  }
0x38: {  	s10 =	sld [smem:$0x3FB3]  }
0x39: {  	_ = 	snop;
	(pc) =	sbr.ind lr, $3  }
0x3a: {  	_ = 	snop  }
0x3b: {  	_ = 	snop  }
0x3c: {  	p2 =	seq.s32 s10, $0x1;
	s10 =	sld [smem:$0x3FB2]  }
0x3d: {  	_ =	shalt  }
0x3e: {  	_ =	shalt  }
0x3f: {  	_ =	shalt  }
0x40: {  	_ =	shalt  }
0x41: {  	_ =	shalt  }
0x42: {  	_ =	shalt  }
0x43: {  	_ =	shalt  }
0x44: {  	_ =	shalt  }
0x45: {  	_ =	shalt  }
0x46: {  	_ =	shalt  }
0x47: {  	_ =	shalt  }
0x48: {  	_ =	shalt  }
0x49: {  	_ =	shalt  }
0x4a: {  	_ =	shalt  }
0x4b: {  	_ =	shalt  }
0x4c: {  	_ =	shalt  }
0x4d: {  	_ =	shalt  }
0x4e: {  	_ =	shalt  }
0x4f: {  	_ =	shalt  }
0x50: {  	_ =	shalt  }
0x51: {  	_ =	shalt  }
0x52: {  	_ =	shalt  }
0x53: {  	_ =	shalt  }
0x54: {  	_ =	shalt  }
0x55: {  	_ =	shalt  }
0x56: {  	_ =	shalt  }
0x57: {  	_ =	shalt  }
0x58: {  	_ =	shalt  }
0x59: {  	_ =	shalt  }
0x5a: {  	_ =	shalt  }
0x5b: {  	_ =	shalt  }
0x5c: {  	_ =	shalt  }
0x5d: {  	_ =	shalt  }
0x5e: {  	_ =	shalt  }
0x5f: {  	_ =	shalt  }
0x60: {  	_ =	shalt  }
0x61: {  	_ =	shalt  }
0x62: {  	_ =	shalt  }
0x63: {  	_ =	shalt  }
0x64: {  	_ =	shalt  }
0x65: {  	_ =	shalt  }
0x66: {  	_ =	shalt  }
0x67: {  	_ =	shalt  }
0x68: {  	_ =	shalt  }
0x69: {  	_ =	shalt  }
0x6a: {  	_ =	shalt  }
0x6b: {  	_ =	shalt  }
0x6c: {  	_ =	shalt  }
0x6d: {  	_ =	shalt  }
0x6e: {  	_ =	shalt  }
0x6f: {  	_ =	shalt  }
0x70: {  	_ =	shalt  }
0x71: {  	_ =	shalt  }
0x72: {  	_ =	shalt  }
0x73: {  	_ =	shalt  }
0x74: {  	_ =	shalt  }
0x75: {  	_ =	shalt  }
0x76: {  	_ =	shalt  }
0x77: {  	_ =	shalt  }
0x78: {  	_ =	shalt  }
0x79: {  	_ =	shalt  }
0x7a: {  	_ =	shalt  }
0x7b: {  	_ =	shalt  }
0x7c: {  	_ =	shalt  }
0x7d: {  	_ =	shalt  }
0x7e: {  	_ =	shalt  }
0x7f: {  	_ =	shalt  }
0x80: {  	_ =	shalt  }
0x81: {  	_ =	shalt  }
0x82: {  	_ =	shalt  }
0x83: {  	_ =	shalt  }
0x84: {  	_ =	shalt  }
0x85: {  	_ =	shalt  }
0x86: {  	_ =	shalt  }
0x87: {  	_ =	shalt  }
.Lfunc_end0:
.L_simem_size_0:
called_computation.1_lowered:
.L_overlay_start_0:
0x88: {  	s2 =	sld [smem:$0x3FD9]  }
0x89: {  	s3 =	sld [smem:$0x3FFE];
	_ =	sdelay $0x1  }
0x8a: {  	s1 =	srdreg.scid  }
0x8b: {  	s0 =	sand.u32 $0x1, s1  }
0x8c: {  	s17 =	sshll.u32 s0, $0xA;
	s2 =	sadd.s32 s3, s2  }
0x8d: {  	s2 =	sadd.s32 s2, s17  }
0x8e: {  	[smem:$0x3FBE] =	sst s2  }
0x8f: {  	_ = 	snop  }
0x90: {  	s2 =	sld [smem:$0x3FD0];
	(tm) =	ssettm $0x1  }
0x91: {  	s18 =	sld [smem:$0x3FFB];
	_ =	sdelay $0x3  }
0x92: {  	_ =	strace s18  }
0x93: {  	s3 =	sld [smem:$0x3FFC];
	_ =	sdelay $0x3  }
0x94: {  	_ =	strace s3  }
0x95: {  	s3 =	sld [smem:$0x3FFD];
	_ =	sdelay $0x3  }
0x96: {  	_ =	strace s3  }
0x97: {  	_ =	strace $0x8FFFFFFF  }
0x98: {  	s19 =	sld [smem:$0x3FDB];
	_ =	sdelay $0x1  }
0x99: {  	s4 =	simm.s32 $_scs_section_size  }
0x9a: {  	s5 =	simm.s32 $_size__tile_overlayer_lowered;
	s6 =	simm.s32 $_tile_overlayer_lowered  }
0x9b: {  	s22 =	simm.s32 $0x1BFF;
	s21 =	sshll.u32 s6, $0x1;
	s3 =	sadd.s32 s4, s19  }
0x9c: {  	s7 =	simm.s32 $0x0;
	s20 =	sshll.u32 s5, $0x1;
	s5 =	sadd.s32 s21, s3  }
0x9d: {  	[timem:s7], [sflag:s22] =	dma.local [hbm:s5], s20  }
0x9e: {  	_ =	swait.ge [sflag:s22], s20  }
0x9f: {  	s4 =	ssub.s32 $0x0, s20;
	[sflag:s22] =	ssyncset.done $0x0  }
0xa0: {  	[sflag:s22] =	ssyncadd.s32 s4;
	_ =	sdelay $0x1  }
0xa1: {  	s23 =	simm.s32 $0x1B8B  }
0xa2: {  	_ =	swait.ge [sflag:s23], $0x1  }
0xa3: {  	[sflag:s23] =	ssyncset.done $0x0  }
0xa4: {  	s25 =	simm.s32 $0x1B8E;
	s24 =	sld [smem:$0x3FFE];
	[sflag:s23] =	ssyncadd.s32 $0xFFFFFFFF  }
0xa5: {  	s26 =	simm.s32 $execute0_lowered;
	[smem:$0x3FD2] =	sst s25  }
0xa6: {  	s5 =	sshll.u32 s26, $0x1;
	_ =	strace $0x80000049;
	[dreg:$0x1] =	wrdreg $0xFFFFFFFF  }
0xa7: {  	s28 =	simm.s32 $_size_execute0_lowered;
	s3 =	sadd.s32 s3, s5;
	[dreg:$0x0] =	wrdreg $0x0  }
0xa8: {  	s5 =	sshll.u32 s28, $0x1;
	[dreg:$0x2] =	wrdreg s3  }
0xa9: {  	[dreg:$0x3] =	wrdreg s5  }
0xaa: {  	[dreg:$0x4] =	wrdreg $0xC0  }
0xab: {  	_ =	task [dreg:s7], $0x5FFFF  }
0xac: {  	[dreg:$0x1] =	wrdreg $0xFFFFFFFF  }
0xad: {  	[dreg:$0x0] =	wrdreg $0x60  }
0xae: {  	[dreg:$0x2] =	wrdreg s2  }
0xaf: {  	[dreg:$0x3] =	wrdreg s24  }
0xb0: {  	[dreg:$0x4] =	wrdreg $0x90000  }
0xb1: {  	[dreg:$0x5] =	wrdreg $0x9  }
0xb2: {  	_ =	task.clear_ibuf [dreg:s7], $0x6FFFF;
	_ =	strace $0x90000049  }
0xb3: {  	s29 =	simm.s32 $0x9;
	_ =	strace $0x8000004B  }
0xb4: {  	_ =	swait.ge [sflag:s29], $0x1  }
0xb5: {  	[sflag:s29] =	ssyncadd.s32 $0xFFFFFFFF  }
0xb6: {  	_ =	strace $0x9000004B  }
0xb7: {  	_ =	sfence  }
0xb8: {  	s30 =	sld [smem:$0x0];
	_ =	sdelay $0x2  }
0xb9: {  	s31 =	sshll.u32 s1, $0xD;
	s1 =	sshrl.u32 s1, $0x2  }
0xba: {  	s3 =	sand.u32 $0x4000, s31;
	s1 =	sadd.s32 s1, s30  }
0xbb: {  	s0 =	sor.u32 s3, s0;
	s1 =	sshll.u32 s1, $0x11  }
0xbc: {  	s0 =	sor.u32 s1, s0  }
0xbd: {  	s0 =	sadd.s32 $0x8F2B, s0  }
0xbe: {  	[sflag:s0] =	ssyncadd.remote.s32 $0x1  }
0xbf: {  	_ =	sfence.sel $0xFFFF  }
0xc0: {  	[dreg:$0x0] =	wrdreg $0xFFFFFFFF;
	(pc) =	sbr.abs _section_cstart, $3  }
0xc1: {  	[dreg:$0x1] =	wrdreg $0xFFFFFFFF  }
0xc2: {  	_ =	task.clear_ibuf [dreg:s7], $0x2FFFF;
	_ =	strace $0x9FFFFFFF  }
0xc3: {  	(tm) =	ssettm $0x7FFFFFFF  }
tec
execute0_lowered:
.L_overlay_start_1:
0x0: {  	(tag) =	ssettag $0x1  }
0x1: {  	s1 =	rddreg [dreg:$0x0]  }
0x2: {  	s0 =	rddreg [dreg:$0x1]  }
0x3: {  	s3 =	rddreg [dreg:$0x2];
	s4 =	simm.s32 $0x0  }
0x4: {  	s2 =	srdreg.scid;
	s8 =	stileid.u32;
	s14 =	simm.s32 $0x1000  }
0x5: {  	s15 =	simm.s32 $0x5;
	s16 =	simm.s32 $0x800;
	s17 =	simm.s32 $0x80  }
0x6: {  	s10 =	simm.s32 $0x500;
	s11 =	simm.s32 $0xD00;
	s12 =	simm.s32 $0x580  }
0x7: {  	s13 =	simm.s32 $0xD80;
	s28 =	simm.s32 $0xF00;
	s5 =	smul.u32 $0x9, s8  }
0x8: {  	s29 =	simm.s32 $0x780;
	s30 =	simm.s32 $0xF80;
	s18 =	smul.u32 $0x13C00, s8  }
0x9: {  	s2 =	sand.u32 $0x1, s2;
	s6 =	sor.u32 $0x90, s8;
	s8 =	smul.u32 $0x4F000, s8  }
0xa: {  	[smem:$0x7FF] =	sst s4;
	p0 =	seq.s32 s2, $0x0;
	s7 =	smul.u32 $0x13C000, s2  }
0xb: {  	_ =	strace $0x8000004A;
	s19 =	ssub.s32 $0x2, s2;
	s6 =	smov.u32 @p0 s5  }
0xc: {  	s9 =	sshrl.u32 s19, $0x1;
	s8 =	sshrl.u32 s8, $0x2;
	p0 =	sne.s32 s2, $0x0  }
0xd: {  	s2 =	simm.s32 $0x480;
	s6 =	sshll.u32 s6, $0x8;
	s5 =	sadd.s32 s18, s7  }
0xe: {  	s20 =	ssub.s32 s19, s9;
	s9 =	sadd.s32 s8, s3;
	s18 =	simm.s32 $0x1  }
0xf: {  	s19 =	simm.s32 $0x5000;
	s21 =	sadd.s32 $0x10000, s9;
	[dreg:$0x4] =	wrdreg s9  }
0x10: {  	s6 =	sadd.s32 s6, s0;
	s22 =	smax.u32 s20, $0x1;
	[dreg:$0x5] =	wrdreg s21  }
0x11: {  	s5 =	sshrl.u32 s5, $0x3;
	s23 =	sadd.s32 $0x4000, s9;
	[dreg:$0x7] =	wrdreg s22  }
0x12: {  	s24 =	sadd.s32 $0x8000, s9;
	s25 =	sadd.s32 $0xC000, s9;
	[dreg:$0x8] =	wrdreg s23  }
0x13: {  	s20 =	simm.s32 $0x2;
	s0 =	sadd.s32 s5, s0;
	[dreg:$0x9] =	wrdreg s24  }
0x14: {  	[dreg:$0xa] =	wrdreg s25;
	s26 =	sadd.s32 $0x2000, s6;
	s31 =	sadd.s32 $0xC000, s6  }
0x15: {  	s21 =	simm.s32 $0x3;
	s24 =	simm.s32 $0x4;
	s5 =	simm.s32 $0x600  }
0x16: {  	s22 =	simm.s32 $0xE00;
	s23 =	simm.s32 $0x680;
	[dreg:$0xb] =	wrdreg s26  }
0x17: {  	s25 =	simm.s32 $0xE80;
	s0 =	sadd.s32 $0x16000, s0;
	[dreg:$0xc] =	wrdreg s31  }
0x18: {  	v0 =	vimm.f32 $0.0e+00;
	s26 =	simm.s32 $0x700;
	[dreg:$0x6] =	wrdreg s0;
	s0 =	simm.s32 $0x0  }
.LBB2_1:
0x19: {  	[dreg:$0xd] =	wrdreg s0;
	s6 =	simm.s32 $0x0;
	s7 =	simm.s32 $0x200  }
.LBB2_2:
0x1a: {  	p1 =	sne.s32 s7, $0xFE00;
	[tilespmem:s6+$0x1070] =	vst v0  }
0x1b: {  	[tilespmem:s6+$0x1000] =	vst v0  }
0x1c: {  	[tilespmem:s6+$0x1010] =	vst v0  }
.Ltmp0:
0x1d: {  	[tilespmem:s6+$0x1020] =	vst v0;
	(pc) =	sbr.rel @p1 .LBB2_2-.Ltmp0, $4  }
0x1e: {  	[tilespmem:s6+$0x1030] =	vst v0  }
0x1f: {  	[tilespmem:s6+$0x1040] =	vst v0  }
0x20: {  	[tilespmem:s6+$0x1050] =	vst v0  }
0x21: {  	[tilespmem:s6+$0x1060] =	vst v0;
	s6 =	sshra.s32 s7, $0x2;
	s7 =	sadd.s32 $0x200, s7  }
0x22: {  	[tilespmem:s6+$0x1070] =	vst v0  }
0x23: {  	[tilespmem:s6+$0x1000] =	vst v0  }
0x24: {  	[tilespmem:s6+$0x1010] =	vst v0  }
0x25: {  	[tilespmem:s6+$0x1020] =	vst v0  }
0x26: {  	[tilespmem:s6+$0x1030] =	vst v0  }
0x27: {  	[tilespmem:s6+$0x1040] =	vst v0  }
0x28: {  	[tilespmem:s6+$0x1050] =	vst v0  }
0x29: {  	[tilespmem:s6+$0x1060] =	vst v0  }
0x2a: {  	[spmem:s9] =	stream.linear.scatter [tilespmem:s14], [sflag:$0x5], $0x4000, $0x38;
	[tilespmem:$0x1CC00] =	vst v63  }
0x2b: {  	_ =	swait.ge [sflag:s15], $0x4000  }
0x2c: {  	[sflag:s15] =	ssyncset.done $0x0  }
0x2d: {  	s7 =	rddreg [dreg:$0x8];
	[sflag:s15] =	ssyncadd.s32 $0xFFFFC000  }
0x2e: {  	[spmem:s7] =	stream.linear.scatter [tilespmem:s14], [sflag:$0x5], $0x4000, $0x38;
	[tilespmem:$0x1CC00] =	vst v63  }
0x2f: {  	_ =	swait.ge [sflag:s15], $0x4000  }
0x30: {  	[sflag:s15] =	ssyncset.done $0x0  }
0x31: {  	s8 =	rddreg [dreg:$0x9];
	[sflag:s15] =	ssyncadd.s32 $0xFFFFC000  }
0x32: {  	[spmem:s8] =	stream.linear.scatter [tilespmem:s14], [sflag:$0x5], $0x4000, $0x38;
	[tilespmem:$0x1CC00] =	vst v63  }
0x33: {  	_ =	swait.ge [sflag:s15], $0x4000  }
0x34: {  	[sflag:s15] =	ssyncset.done $0x0  }
0x35: {  	s9 =	rddreg [dreg:$0xa];
	[sflag:s15] =	ssyncadd.s32 $0xFFFFC000  }
0x36: {  	[spmem:s9] =	stream.linear.scatter [tilespmem:s14], [sflag:$0x5], $0x4000, $0x38;
	[tilespmem:$0x1CC00] =	vst v63  }
0x37: {  	_ =	swait.ge [sflag:s15], $0x4000  }
0x38: {  	[sflag:s15] =	ssyncset.done $0x0  }
0x39: {  	s31 =	rddreg [dreg:$0x5];
	[sflag:s15] =	ssyncadd.s32 $0xFFFFC000  }
0x3a: {  	[spmem:s31] =	stream.linear.scatter [tilespmem:s14], [sflag:$0x5], $0x3C00, $0x38;
	[tilespmem:$0x1CC00] =	vst v63  }
0x3b: {  	_ =	swait.ge [sflag:s15], $0x3C00  }
0x3c: {  	[sflag:s15] =	ssyncset.done $0x0  }
0x3d: {  	[sflag:s15] =	ssyncadd.s32 $0xFFFFC400  }
0x3e: {  	[bflag:$0x0] =	sbarrier.arrive $0xFFFF  }
0x3f: {  	s0 =	simm.s32 $0xC00;
	s6 =	rddreg [dreg:$0xc]  }
0x40: {  	s8 =	simm.s32 $0x0;
	s9 =	simm.s32 $0xC80;
	s7 =	rddreg [dreg:$0xb]  }
.LBB2_4:
0x41: {  	[tilespmem:s4], [sflag:$0x5] =	stream.linear.gather [hbm4b:s6+s4], $0x800, $0x38;
	[tilespmem:$0x1CC00] =	vst v63  }
0x42: {  	_ =	swait.ge [sflag:s15], $0x800  }
0x43: {  	[sflag:s15] =	ssyncset.done $0x0  }
0x44: {  	[sflag:s15] =	ssyncadd.s32 $0xFFFFF800  }
0x45: {  	[tilespmem:s16], [sflag:$0x5] =	stream.linear.gather [hbm4b:s7+s4], $0x800, $0x38;
	[tilespmem:$0x1CC00] =	vst v63  }
0x46: {  	_ =	swait.ge [sflag:s15], $0x800  }
0x47: {  	[sflag:s15] =	ssyncset.done $0x0  }
0x48: {  	[sflag:s15] =	ssyncadd.s32 $0xFFFFF800  }
0x49: {  	[tilespmem:s14], [sflag:$0x1] =	stream.indirect.gather [hbm4b:s1+s17], $0x80, s4, s17, $0xb8;
	[tilespmem:$0x1CC00] =	vst v63  }
0x4a: {  	_ =	swait.ge [sflag:s18], $0x4000  }
0x4b: {  	[sflag:s18] =	ssyncset.done $0x0  }
0x4c: {  	[sflag:s18] =	ssyncadd.s32 $0xFFFFC000  }
0x4d: {  	[spmem:s3] =	stream.indirect.scatter.add.f32 [tilespmem:s14], [sflag:$0x3], $0x80, s16, s17, $0xb8;
	[tilespmem:$0x1CC00] =	vst v63  }
0x4e: {  	_ = 	snop  }
0x4f: {  	[tilespmem:s19], [sflag:$0x2] =	stream.indirect.gather [hbm4b:s1+s17], $0x80, s17, s17, $0xb8;
	[tilespmem:$0x1CC00] =	vst v63  }
0x50: {  	_ =	swait.ge [sflag:s20], $0x4000  }
0x51: {  	[sflag:s20] =	ssyncset.done $0x0  }
0x52: {  	[sflag:s20] =	ssyncadd.s32 $0xFFFFC000  }
0x53: {  	_ =	swait.ge [sflag:s21], $0x4000  }
0x54: {  	[sflag:s21] =	ssyncset.done $0x0  }
0x55: {  	s31 =	simm.s32 $0x880;
	[sflag:s21] =	ssyncadd.s32 $0xFFFFC000  }
0x56: {  	[spmem:s3] =	stream.indirect.scatter.add.f32 [tilespmem:s19], [sflag:$0x4], $0x80, s31, s17, $0xb8;
	[tilespmem:$0x1CC00] =	vst v63  }
0x57: {  	s31 =	simm.s32 $0x100  }
0x58: {  	[tilespmem:s14], [sflag:$0x1] =	stream.indirect.gather [hbm4b:s1+s17], $0x80, s31, s17, $0xb8;
	[tilespmem:$0x1CC00] =	vst v63  }
0x59: {  	_ =	swait.ge [sflag:s18], $0x4000  }
0x5a: {  	[sflag:s18] =	ssyncset.done $0x0  }
0x5b: {  	[sflag:s18] =	ssyncadd.s32 $0xFFFFC000  }
0x5c: {  	_ =	swait.ge [sflag:s24], $0x4000  }
0x5d: {  	[sflag:s24] =	ssyncset.done $0x0  }
0x5e: {  	s31 =	simm.s32 $0x900;
	[sflag:s24] =	ssyncadd.s32 $0xFFFFC000  }
0x5f: {  	[spmem:s3] =	stream.indirect.scatter.add.f32 [tilespmem:s14], [sflag:$0x3], $0x80, s31, s17, $0xb8;
	[tilespmem:$0x1CC00] =	vst v63  }
0x60: {  	s31 =	simm.s32 $0x180  }
0x61: {  	[tilespmem:s19], [sflag:$0x2] =	stream.indirect.gather [hbm4b:s1+s17], $0x80, s31, s17, $0xb8;
	[tilespmem:$0x1CC00] =	vst v63  }
0x62: {  	_ =	swait.ge [sflag:s20], $0x4000  }
0x63: {  	[sflag:s20] =	ssyncset.done $0x0  }
0x64: {  	[sflag:s20] =	ssyncadd.s32 $0xFFFFC000  }
0x65: {  	_ =	swait.ge [sflag:s21], $0x4000  }
0x66: {  	[sflag:s21] =	ssyncset.done $0x0  }
0x67: {  	s31 =	simm.s32 $0x980;
	[sflag:s21] =	ssyncadd.s32 $0xFFFFC000  }
0x68: {  	[spmem:s3] =	stream.indirect.scatter.add.f32 [tilespmem:s19], [sflag:$0x4], $0x80, s31, s17, $0xb8;
	[tilespmem:$0x1CC00] =	vst v63  }
0x69: {  	s31 =	simm.s32 $0x200  }
0x6a: {  	[tilespmem:s14], [sflag:$0x1] =	stream.indirect.gather [hbm4b:s1+s17], $0x80, s31, s17, $0xb8;
	[tilespmem:$0x1CC00] =	vst v63  }
0x6b: {  	_ =	swait.ge [sflag:s18], $0x4000  }
0x6c: {  	[sflag:s18] =	ssyncset.done $0x0  }
0x6d: {  	[sflag:s18] =	ssyncadd.s32 $0xFFFFC000  }
0x6e: {  	_ =	swait.ge [sflag:s24], $0x4000  }
0x6f: {  	[sflag:s24] =	ssyncset.done $0x0  }
0x70: {  	s31 =	simm.s32 $0xA00;
	[sflag:s24] =	ssyncadd.s32 $0xFFFFC000  }
0x71: {  	[spmem:s3] =	stream.indirect.scatter.add.f32 [tilespmem:s14], [sflag:$0x3], $0x80, s31, s17, $0xb8;
	[tilespmem:$0x1CC00] =	vst v63  }
0x72: {  	s31 =	simm.s32 $0x280  }
0x73: {  	[tilespmem:s19], [sflag:$0x2] =	stream.indirect.gather [hbm4b:s1+s17], $0x80, s31, s17, $0xb8;
	[tilespmem:$0x1CC00] =	vst v63  }
0x74: {  	_ =	swait.ge [sflag:s20], $0x4000  }
0x75: {  	[sflag:s20] =	ssyncset.done $0x0  }
0x76: {  	[sflag:s20] =	ssyncadd.s32 $0xFFFFC000  }
0x77: {  	_ =	swait.ge [sflag:s21], $0x4000  }
0x78: {  	[sflag:s21] =	ssyncset.done $0x0  }
0x79: {  	s31 =	simm.s32 $0xA80;
	[sflag:s21] =	ssyncadd.s32 $0xFFFFC000  }
0x7a: {  	[spmem:s3] =	stream.indirect.scatter.add.f32 [tilespmem:s19], [sflag:$0x4], $0x80, s31, s17, $0xb8;
	[tilespmem:$0x1CC00] =	vst v63  }
0x7b: {  	s31 =	simm.s32 $0x300  }
0x7c: {  	[tilespmem:s14], [sflag:$0x1] =	stream.indirect.gather [hbm4b:s1+s17], $0x80, s31, s17, $0xb8;
	[tilespmem:$0x1CC00] =	vst v63  }
0x7d: {  	_ =	swait.ge [sflag:s18], $0x4000  }
0x7e: {  	[sflag:s18] =	ssyncset.done $0x0  }
0x7f: {  	[sflag:s18] =	ssyncadd.s32 $0xFFFFC000  }
0x80: {  	_ =	swait.ge [sflag:s24], $0x4000  }
0x81: {  	[sflag:s24] =	ssyncset.done $0x0  }
0x82: {  	s31 =	simm.s32 $0xB00;
	[sflag:s24] =	ssyncadd.s32 $0xFFFFC000  }
0x83: {  	[spmem:s3] =	stream.indirect.scatter.add.f32 [tilespmem:s14], [sflag:$0x3], $0x80, s31, s17, $0xb8;
	[tilespmem:$0x1CC00] =	vst v63  }
0x84: {  	s31 =	simm.s32 $0x380  }
0x85: {  	[tilespmem:s19], [sflag:$0x2] =	stream.indirect.gather [hbm4b:s1+s17], $0x80, s31, s17, $0xb8;
	[tilespmem:$0x1CC00] =	vst v63  }
0x86: {  	_ =	swait.ge [sflag:s20], $0x4000  }
0x87: {  	[sflag:s20] =	ssyncset.done $0x0  }
0x88: {  	[sflag:s20] =	ssyncadd.s32 $0xFFFFC000  }
0x89: {  	_ =	swait.ge [sflag:s21], $0x4000  }
0x8a: {  	[sflag:s21] =	ssyncset.done $0x0  }
0x8b: {  	s31 =	simm.s32 $0xB80;
	[sflag:s21] =	ssyncadd.s32 $0xFFFFC000  }
0x8c: {  	[spmem:s3] =	stream.indirect.scatter.add.f32 [tilespmem:s19], [sflag:$0x4], $0x80, s31, s17, $0xb8;
	[tilespmem:$0x1CC00] =	vst v63  }
0x8d: {  	s31 =	simm.s32 $0x400  }
0x8e: {  	[tilespmem:s14], [sflag:$0x1] =	stream.indirect.gather [hbm4b:s1+s17], $0x80, s31, s17, $0xb8;
	[tilespmem:$0x1CC00] =	vst v63  }
0x8f: {  	_ =	swait.ge [sflag:s18], $0x4000  }
0x90: {  	[sflag:s18] =	ssyncset.done $0x0  }
0x91: {  	[sflag:s18] =	ssyncadd.s32 $0xFFFFC000  }
0x92: {  	_ =	swait.ge [sflag:s24], $0x4000  }
0x93: {  	[sflag:s24] =	ssyncset.done $0x0  }
0x94: {  	[sflag:s24] =	ssyncadd.s32 $0xFFFFC000  }
0x95: {  	[spmem:s3] =	stream.indirect.scatter.add.f32 [tilespmem:s14], [sflag:$0x3], $0x80, s0, s17, $0xb8;
	[tilespmem:$0x1CC00] =	vst v63  }
0x96: {  	_ = 	snop  }
0x97: {  	[tilespmem:s19], [sflag:$0x2] =	stream.indirect.gather [hbm4b:s1+s17], $0x80, s2, s17, $0xb8;
	[tilespmem:$0x1CC00] =	vst v63  }
0x98: {  	_ =	swait.ge [sflag:s20], $0x4000  }
0x99: {  	[sflag:s20] =	ssyncset.done $0x0  }
0x9a: {  	[sflag:s20] =	ssyncadd.s32 $0xFFFFC000  }
0x9b: {  	_ =	swait.ge [sflag:s21], $0x4000  }
0x9c: {  	[sflag:s21] =	ssyncset.done $0x0  }
0x9d: {  	[sflag:s21] =	ssyncadd.s32 $0xFFFFC000  }
0x9e: {  	[spmem:s3] =	stream.indirect.scatter.add.f32 [tilespmem:s19], [sflag:$0x4], $0x80, s9, s17, $0xb8;
	[tilespmem:$0x1CC00] =	vst v63  }
0x9f: {  	_ = 	snop  }
0xa0: {  	[tilespmem:s14], [sflag:$0x1] =	stream.indirect.gather [hbm4b:s1+s17], $0x80, s10, s17, $0xb8;
	[tilespmem:$0x1CC00] =	vst v63  }
0xa1: {  	_ =	swait.ge [sflag:s18], $0x4000  }
0xa2: {  	[sflag:s18] =	ssyncset.done $0x0  }
0xa3: {  	[sflag:s18] =	ssyncadd.s32 $0xFFFFC000  }
0xa4: {  	_ =	swait.ge [sflag:s24], $0x4000  }
0xa5: {  	[sflag:s24] =	ssyncset.done $0x0  }
0xa6: {  	[sflag:s24] =	ssyncadd.s32 $0xFFFFC000  }
0xa7: {  	[spmem:s3] =	stream.indirect.scatter.add.f32 [tilespmem:s14], [sflag:$0x3], $0x80, s11, s17, $0xb8;
	[tilespmem:$0x1CC00] =	vst v63  }
0xa8: {  	_ = 	snop  }
0xa9: {  	[tilespmem:s19], [sflag:$0x2] =	stream.indirect.gather [hbm4b:s1+s17], $0x80, s12, s17, $0xb8;
	[tilespmem:$0x1CC00] =	vst v63  }
0xaa: {  	_ =	swait.ge [sflag:s20], $0x4000  }
0xab: {  	[sflag:s20] =	ssyncset.done $0x0  }
0xac: {  	[sflag:s20] =	ssyncadd.s32 $0xFFFFC000  }
0xad: {  	_ =	swait.ge [sflag:s21], $0x4000  }
0xae: {  	[sflag:s21] =	ssyncset.done $0x0  }
0xaf: {  	[sflag:s21] =	ssyncadd.s32 $0xFFFFC000  }
0xb0: {  	[spmem:s3] =	stream.indirect.scatter.add.f32 [tilespmem:s19], [sflag:$0x4], $0x80, s13, s17, $0xb8;
	[tilespmem:$0x1CC00] =	vst v63  }
0xb1: {  	_ = 	snop  }
0xb2: {  	[tilespmem:s14], [sflag:$0x1] =	stream.indirect.gather [hbm4b:s1+s17], $0x80, s5, s17, $0xb8;
	[tilespmem:$0x1CC00] =	vst v63  }
0xb3: {  	_ =	swait.ge [sflag:s18], $0x4000  }
0xb4: {  	[sflag:s18] =	ssyncset.done $0x0  }
0xb5: {  	[sflag:s18] =	ssyncadd.s32 $0xFFFFC000  }
0xb6: {  	_ =	swait.ge [sflag:s24], $0x4000  }
0xb7: {  	[sflag:s24] =	ssyncset.done $0x0  }
0xb8: {  	[sflag:s24] =	ssyncadd.s32 $0xFFFFC000  }
0xb9: {  	[spmem:s3] =	stream.indirect.scatter.add.f32 [tilespmem:s14], [sflag:$0x3], $0x80, s22, s17, $0xb8;
	[tilespmem:$0x1CC00] =	vst v63  }
0xba: {  	_ = 	snop  }
0xbb: {  	[tilespmem:s19], [sflag:$0x2] =	stream.indirect.gather [hbm4b:s1+s17], $0x80, s23, s17, $0xb8;
	[tilespmem:$0x1CC00] =	vst v63  }
0xbc: {  	_ =	swait.ge [sflag:s20], $0x4000  }
0xbd: {  	[sflag:s20] =	ssyncset.done $0x0  }
0xbe: {  	[sflag:s20] =	ssyncadd.s32 $0xFFFFC000  }
0xbf: {  	_ =	swait.ge [sflag:s21], $0x4000  }
0xc0: {  	[sflag:s21] =	ssyncset.done $0x0  }
0xc1: {  	[sflag:s21] =	ssyncadd.s32 $0xFFFFC000  }
0xc2: {  	[spmem:s3] =	stream.indirect.scatter.add.f32 [tilespmem:s19], [sflag:$0x4], $0x80, s25, s17, $0xb8;
	[tilespmem:$0x1CC00] =	vst v63  }
0xc3: {  	_ = 	snop  }
0xc4: {  	[tilespmem:s14], [sflag:$0x1] =	stream.indirect.gather [hbm4b:s1+s17], $0x80, s26, s17, $0xb8;
	[tilespmem:$0x1CC00] =	vst v63  }
0xc5: {  	_ =	swait.ge [sflag:s18], $0x4000  }
0xc6: {  	[sflag:s18] =	ssyncset.done $0x0  }
0xc7: {  	[sflag:s18] =	ssyncadd.s32 $0xFFFFC000  }
0xc8: {  	_ =	swait.ge [sflag:s24], $0x4000  }
0xc9: {  	[sflag:s24] =	ssyncset.done $0x0  }
0xca: {  	[sflag:s24] =	ssyncadd.s32 $0xFFFFC000  }
0xcb: {  	[spmem:s3] =	stream.indirect.scatter.add.f32 [tilespmem:s14], [sflag:$0x3], $0x80, s28, s17, $0xb8;
	[tilespmem:$0x1CC00] =	vst v63  }
0xcc: {  	_ = 	snop  }
0xcd: {  	[tilespmem:s19], [sflag:$0x2] =	stream.indirect.gather [hbm4b:s1+s17], $0x80, s29, s17, $0xb8;
	[tilespmem:$0x1CC00] =	vst v63  }
0xce: {  	_ =	swait.ge [sflag:s20], $0x4000  }
0xcf: {  	[sflag:s20] =	ssyncset.done $0x0  }
0xd0: {  	[sflag:s20] =	ssyncadd.s32 $0xFFFFC000  }
0xd1: {  	p1 =	slt.u32 @!p0 s8, $0x8;
	_ =	swait.ge [sflag:s21], $0x4000  }
0xd2: {  	p1 =	por p0, !p1;
	[sflag:s21] =	ssyncset.done $0x0  }
.Ltmp1:
0xd3: {  	[sflag:s21] =	ssyncadd.s32 $0xFFFFC000;
	(pc) =	sbr.rel @!p1 .LBB2_4-.Ltmp1, $4  }
0xd4: {  	[spmem:s3] =	stream.indirect.scatter.add.f32 [tilespmem:s19], [sflag:$0x4], $0x80, s30, s17, $0xb8;
	[tilespmem:$0x1CC00] =	vst v63  }
0xd5: {  	_ =	swait.ge [sflag:s24], $0x4000  }
0xd6: {  	s8 =	sadd.s32 $0x1, s8;
	[sflag:s24] =	ssyncset.done $0x0  }
0xd7: {  	s6 =	sadd.s32 $0x100, s6;
	s7 =	sadd.s32 $0x100, s7;
	[sflag:s24] =	ssyncadd.s32 $0xFFFFC000  }
0xd8: {  	s6 =	stileid.u32;
	[bflag:$0x0] =	sbarrier.arrive $0xFFFF  }
0xd9: {  	s6 =	sshll.u32 s6, $0x6;
	s9 =	rddreg [dreg:$0x4]  }
0xda: {  	s8 =	rddreg [dreg:$0x6];
	s6 =	sor.u32 $0x1C05, s6;
	s7 =	sshrl.u32 s9, $0x3  }
0xdb: {  	[hbm:s8], [sflag:s6] =	dma.local [spmem:s7], $0x2780  }
0xdc: {  	_ =	swait.ge [sflag:s15], $0x2780  }
0xdd: {  	s0 =	rddreg [dreg:$0xd]  }
0xde: {  	s31 =	rddreg [dreg:$0x7];
	s0 =	sadd.s32 $0x1, s0  }
0xdf: {  	p1 =	sne.s32 s0, s31  }
.Ltmp2:
0xe0: {  	_ = 	snop;
	(pc) =	sbr.rel @p1 .LBB2_1-.Ltmp2, $3  }
0xe1: {  	_ =	sdelay $0x1  }
0xe2: {  	[sflag:s15] =	ssyncset.done $0x0  }
0xe3: {  	[sflag:s15] =	ssyncadd.s32 $0xFFFFD880  }
0xe4: {  	_ =	sfence.sel $0x180000  }
0xe5: {  	[bflag:$0x0] =	sbarrier.arrive $0xFFFF  }
0xe6: {  	_ =	strace $0x9000004A  }
0xe7: {  	s0 =	stileid.u32;
	[bflag:$0x2] =	sbarrier.arrive $0xFFFF  }
0xe8: {  	p0 =	sne.s32 s0, $0x0;
	s0 =	rddreg [dreg:$0x3]  }
0xe9: {  	s0 =	sadd.s32 @!p0 $0x100000, s0  }
0xea: {  	[sflag:s0] =	ssyncadd.tile.s32 @!p0 $0x1;
	_ =	shalt  }
.Lfunc_end2:
_tile_overlayer_lowered:
.L_overlay_start_2:
0xeb: {  	(tag) =	ssettag $0x2  }
0xec: {  	s0 =	rddreg [dreg:$0x0];
	s2 =	stileid.u32  }
0xed: {  	s1 =	rddreg [dreg:$0x1];
	p0 =	sne.s32 s2, $0x0  }
0xee: {  	s3 =	rddreg [dreg:$0x2];
	[bflag:$0x3] =	sbarrier.arrive $0xFFFF;
	s2 =	simm.s32 @!p0 $0x1C05  }
0xef: {  	[timem:s3], [sflag:s2] =	dma.local @!p0 [hbm:s0], s1  }
0xf0: {  	s0 =	simm.s32 @!p0 $0x5  }
0xf1: {  	_ =	swait.ge @!p0 [sflag:s0], s1  }
0xf2: {  	s1 =	ssub.s32 @!p0 $0x0, s1;
	[sflag:s0] =	ssyncset.done @!p0 $0x0  }
0xf3: {  	[sflag:s0] =	ssyncadd.s32 @!p0 s1  }
0xf4: {  	[bflag:$0x3] =	sbarrier.arrive $0xFFFF  }
0xf5: {  	_ =	shalt  }

</sc_bundles>
